<compile_context>
chip_gen: v7x
topology: tpu7x:2x2x1
jax: 0.10.2.dev20260603
libtpu: 0.0.44.dev20260713+nightly
codegen_flags: <defaults>
</compile_context>

<pallas_src>
import functools

import jax
import jax.numpy as jnp
import numpy as np
from jax import lax
from jax.experimental import pallas as pl
from jax.experimental.pallas import tpu as pltpu
from jax.experimental.pallas import tpu_sc as plsc

_B, _F, _T = 128, 128, 3000
_NW = 32
_SPW = _B // _NW
_CR = 200
_CPS = _T // _CR
_NCH = _SPW * _CPS

_F0 = np.array([
    50, 77, 22, 110, 102, 79, 41, 82, 116, 103, 25, 36, 20, 26, 33, 52, 69,
    58, 7, 35, 113, 39, 84, 86, 36, 117, 76, 50, 42, 33, 88, 44, 36, 3, 87,
    34, 20, 45, 72, 65, 64, 19, 111, 71, 22, 88, 41, 6, 8, 97, 8, 57, 21, 23,
    28, 55, 13, 12, 79, 20, 103, 61, 39, 55, 100, 37, 93, 58, 84, 100, 58,
    114, 5, 100, 2, 28, 49, 9, 8, 73, 8, 55, 7, 74, 59, 86, 13, 33, 81, 115,
    101, 61, 28, 125, 47, 21, 30, 10, 0, 33, 78, 31, 116, 39, 45, 117, 47,
    86, 79, 28, 64, 107, 90, 55, 98, 46, 104, 105, 47, 12, 67, 34, 1, 81, 65,
    26, 57, 43], dtype=np.int64)
_F1 = np.array([
    63, 86, 36, 115, 127, 82, 44, 94, 124, 123, 38, 39, 32, 29, 52, 68, 95,
    62, 21, 39, 115, 56, 94, 108, 42, 124, 98, 55, 66, 51, 91, 66, 42, 11,
    88, 44, 42, 60, 87, 78, 75, 39, 122, 95, 33, 99, 65, 8, 30, 115, 19, 82,
    21, 44, 54, 58, 16, 16, 104, 38, 121, 71, 39, 76, 112, 55, 99, 79, 95,
    114, 80, 120, 10, 120, 18, 43, 59, 9, 24, 94, 30, 71, 14, 82, 81, 94, 29,
    48, 81, 122, 118, 61, 45, 127, 52, 34, 33, 34, 5, 36, 88, 45, 120, 52,
    65, 127, 59, 86, 98, 34, 70, 127, 107, 70, 108, 66, 124, 112, 70, 29, 83,
    34, 14, 101, 79, 31, 76, 49], dtype=np.int64)


def _scale_np():
    freq = np.arange(_F)
    masked = (freq[None, :] >= _F0[:, None]) & (freq[None, :] < _F1[:, None])
    return (~masked).astype(np.float32).reshape(_NW, _SPW, _F)

_SCALE = _scale_np()


def _sc_body(x_hbm, scale_hbm, out_hbm, sbuf, bufa, bufb, gsa, gsb, ssa, ssb):
    wid = lax.axis_index("s") * 2 + lax.axis_index("c")
    pltpu.sync_copy(scale_hbm.at[wid], sbuf)

    def base_of(c):
        j = c // _CPS
        cc = c % _CPS
        return (wid * _SPW + j) * _T + cc * _CR

    def gstart(c, buf, sem):
        pltpu.make_async_copy(x_hbm.at[pl.ds(base_of(c), _CR)], buf, sem).start()

    def gwait(buf, sem):
        pltpu.make_async_copy(x_hbm.at[pl.ds(0, _CR)], buf, sem).wait()

    def sstart(c, buf, sem):
        pltpu.make_async_copy(buf, out_hbm.at[pl.ds(base_of(c), _CR)], sem).start()

    def swait(buf, sem):
        pltpu.make_async_copy(buf, out_hbm.at[pl.ds(0, _CR)], sem).wait()

    def compute(buf, j):
        svs = [sbuf[j, pl.ds(k * 16, 16)] for k in range(_F // 16)]

        def row(r, carry):
            for k in range(_F // 16):
                buf[r, pl.ds(k * 16, 16)] = buf[r, pl.ds(k * 16, 16)] * svs[k]
            return carry

        lax.fori_loop(0, _CR, row, 0)

    gstart(0, bufa, gsa)

    def body(i, carry):
        c0 = 2 * i
        c1 = c0 + 1

        @pl.when(i > 0)
        def _():
            swait(bufb, ssb)

        gstart(c1, bufb, gsb)
        gwait(bufa, gsa)
        compute(bufa, c0 // _CPS)
        sstart(c0, bufa, ssa)
        gwait(bufb, gsb)
        compute(bufb, c1 // _CPS)
        sstart(c1, bufb, ssb)

        @pl.when(i < _NCH // 2 - 1)
        def _():
            swait(bufa, ssa)
            gstart(c0 + 2, bufa, gsa)

        return carry

    lax.fori_loop(0, _NCH // 2, body, 0)
    swait(bufa, ssa)
    swait(bufb, ssb)


@jax.jit
def _sc_call(xv2):
    mesh = plsc.VectorSubcoreMesh(core_axis_name="c", subcore_axis_name="s")
    kern = functools.partial(
        pl.kernel,
        mesh=mesh,
        out_type=jax.ShapeDtypeStruct((_B * _T, _F), jnp.float32),
        scratch_types=[
            pltpu.VMEM((_SPW, _F), jnp.float32),
            pltpu.VMEM((_CR, _F), jnp.float32),
            pltpu.VMEM((_CR, _F), jnp.float32),
            pltpu.SemaphoreType.DMA,
            pltpu.SemaphoreType.DMA,
            pltpu.SemaphoreType.DMA,
            pltpu.SemaphoreType.DMA,
        ],
    )(_sc_body)
    return kern(xv2, jnp.asarray(_SCALE))


def kernel(x):
    xv2 = jnp.transpose(x, (0, 2, 1)).reshape(_B * _T, _F)
    out = _sc_call(xv2)
    return jnp.transpose(out.reshape(_B, _T, _F), (0, 2, 1))

# --- scband reference (transcript-rebuilt; emitter-appended) ---
"""Pipeline reference for scband-manual-frequency-masking-90323162234882 (READ-ONLY COPY).

The authoritative reference and input builder live on the scoring server;
editing this copy changes nothing except your own understanding.
"""

import jax, jax.numpy as jnp
import numpy as np

FREQ_MASK_PARAM = 27


def setup_inputs(seed: int = 0) -> dict:
    key = jax.random.key(seed)
    x = jax.random.normal(key, (128, 128, 3000), dtype=jnp.float32)
    return {"x": x}


def reference(x):
    # Faithful JAX translation of ManualFrequencyMasking.forward.
    # The torch module draws, per batch element i:
    #   f  ~ randint(0, freq_mask_param)
    #   f0 ~ randint(0, F - f)   (skip if F - f <= 0; never happens since F=128 > 27)
    # then overwrites x[i, f0:f0+f, :] = 0 (scatter-overwrite).
    # We reproduce the same math with a fixed JAX PRNG stream and express the
    # slice-assignment as a broadcasted masked write.
    B, F, T = x.shape
    key = jax.random.key(42)
    kf, k0 = jax.random.split(key)
    f = jax.random.randint(kf, (B,), 0, FREQ_MASK_PARAM)          # mask widths, per sample
    f0 = jax.random.randint(k0, (B,), 0, F - f)                   # mask starts, per sample (maxval broadcasts)
    freq_idx = jnp.arange(F)
    mask = (freq_idx[None, :] >= f0[:, None]) & (freq_idx[None, :] < (f0 + f)[:, None])  # [B, F]
    out = jnp.where(mask[:, :, None], jnp.zeros((), dtype=x.dtype), x)
    return out

if __name__ == "__main__":
    import jax
    _d = setup_inputs()
    print(jax.jit(kernel)(*tuple(_d.values())))

</pallas_src>

<mosaic_0001>
#map = affine_map<(d0, d1) -> (0, 0)>
#map1 = affine_map<(d0, d1) -> (0, 0, 0)>
module attributes {stable_mosaic.version = 14 : i64} {
  func.func @_sc_body(%arg0: i32, %arg1: i32, %arg2: memref<384000x128xf32, #tpu.memory_space<hbm>>, %arg3: memref<32x4x128xf32, #tpu.memory_space<hbm>>, %arg4: memref<384000x128xf32, #tpu.memory_space<hbm>>, %arg5: memref<4x128xf32, #tpu.memory_space<vmem>>, %arg6: memref<200x128xf32, #tpu.memory_space<vmem>>, %arg7: memref<200x128xf32, #tpu.memory_space<vmem>>, %arg8: memref<!tpu.dma_semaphore, #tpu.memory_space<semaphore_mem>>, %arg9: memref<!tpu.dma_semaphore, #tpu.memory_space<semaphore_mem>>, %arg10: memref<!tpu.dma_semaphore, #tpu.memory_space<semaphore_mem>>, %arg11: memref<!tpu.dma_semaphore, #tpu.memory_space<semaphore_mem>>) attributes {dimension_semantics = [#tpu.dimension_semantics<core_parallel>, #tpu.dimension_semantics<subcore_parallel>], iteration_bounds = array<i64: 2, 16>, scalar_prefetch = 0 : i64, scratch_operands = 7 : i64, tpu.core_type = #tpu.core_type<sc_vector_subcore>, window_params = [{transform_indices = #map}, {transform_indices = #map1}, {transform_indices = #map}]} {
    %mul3A = arith.constant 2 : i32
    %mul3A_0 = arith.muli %arg1, %mul3A : i32
    %add3A = arith.addi %mul3A_0, %arg0 : i32
    "tpu.region"() ({
      %run_scoped3A = tpu.sem_alloc : memref<!tpu.dma_semaphore, #tpu.memory_space<semaphore_mem>>
      %dma_start3A_28 = arith.constant 0 : i32
      %dma_start3A_29 = arith.constant 0 : i32
      %dma_start3A_30 = tpu.memref_slice %arg3[%add3A, %dma_start3A_28, %dma_start3A_29] : memref<32x4x128xf32, #tpu.memory_space<hbm>> -> memref<1x4x128xf32, #tpu.memory_space<hbm>>
      %dma_start3A_31 = tpu.memref_squeeze %dma_start3A_30 : memref<1x4x128xf32, #tpu.memory_space<hbm>> -> memref<4x128xf32, #tpu.memory_space<hbm>>
      %dma_start3A_32 = arith.constant 0 : i32
      %dma_start3A_33 = arith.constant 0 : i32
      %dma_start3A_34 = tpu.memref_slice %arg3[%add3A, %dma_start3A_32, %dma_start3A_33] : memref<32x4x128xf32, #tpu.memory_space<hbm>> -> memref<1x4x128xf32, #tpu.memory_space<hbm>>
      %dma_start3A_35 = tpu.memref_squeeze %dma_start3A_34 : memref<1x4x128xf32, #tpu.memory_space<hbm>> -> memref<4x128xf32, #tpu.memory_space<hbm>>
      tpu.enqueue_dma source(%dma_start3A_35 : memref<4x128xf32, #tpu.memory_space<hbm>>) target(%arg5 : memref<4x128xf32, #tpu.memory_space<vmem>>) target_semaphore(%run_scoped3A : memref<!tpu.dma_semaphore, #tpu.memory_space<semaphore_mem>>)
      %dma_wait3A_36 = arith.constant 0 : i32
      %dma_wait3A_37 = arith.constant 0 : i32
      %dma_wait3A_38 = tpu.memref_slice %arg3[%add3A, %dma_wait3A_36, %dma_wait3A_37] : memref<32x4x128xf32, #tpu.memory_space<hbm>> -> memref<1x4x128xf32, #tpu.memory_space<hbm>>
      %dma_wait3A_39 = tpu.memref_squeeze %dma_wait3A_38 : memref<1x4x128xf32, #tpu.memory_space<hbm>> -> memref<4x128xf32, #tpu.memory_space<hbm>>
      %dma_wait3A_40 = arith.constant 0 : i32
      %dma_wait3A_41 = arith.constant 0 : i32
      %dma_wait3A_42 = tpu.memref_slice %arg3[%add3A, %dma_wait3A_40, %dma_wait3A_41] : memref<32x4x128xf32, #tpu.memory_space<hbm>> -> memref<1x4x128xf32, #tpu.memory_space<hbm>>
      %dma_wait3A_43 = tpu.memref_squeeze %dma_wait3A_42 : memref<1x4x128xf32, #tpu.memory_space<hbm>> -> memref<4x128xf32, #tpu.memory_space<hbm>>
      tpu.wait_dma2 semaphore(%run_scoped3A : memref<!tpu.dma_semaphore, #tpu.memory_space<semaphore_mem>>) src(%dma_wait3A_43 : memref<4x128xf32, #tpu.memory_space<hbm>>) dst(%arg5 : memref<4x128xf32, #tpu.memory_space<vmem>>)
      tpu.yield
    }) : () -> ()
    %mul3A_1 = arith.constant 4 : i32
    %mul3A_2 = arith.muli %add3A, %mul3A_1 : i32
    %add3A_3 = arith.constant 0 : i32
    %add3A_4 = arith.addi %mul3A_2, %add3A_3 : i32
    %mul3A_5 = arith.constant 3000 : i32
    %mul3A_6 = arith.muli %add3A_4, %mul3A_5 : i32
    %add3A_7 = arith.constant 0 : i32
    %add3A_8 = arith.addi %mul3A_6, %add3A_7 : i32
    %dma_start3A = arith.constant 0 : i32
    %dma_start3A_9 = tpu.memref_slice %arg2[%add3A_8, %dma_start3A] : memref<384000x128xf32, #tpu.memory_space<hbm>> -> memref<200x128xf32, #tpu.memory_space<hbm>>
    %dma_start3A_10 = arith.constant 0 : i32
    %dma_start3A_11 = tpu.memref_slice %arg2[%add3A_8, %dma_start3A_10] : memref<384000x128xf32, #tpu.memory_space<hbm>> -> memref<200x128xf32, #tpu.memory_space<hbm>>
    tpu.enqueue_dma source(%dma_start3A_11 : memref<200x128xf32, #tpu.memory_space<hbm>>) target(%arg6 : memref<200x128xf32, #tpu.memory_space<vmem>>) target_semaphore(%arg8 : memref<!tpu.dma_semaphore, #tpu.memory_space<semaphore_mem>>)
    %scan3A = arith.constant 0 : i32
    %scan3A_12 = arith.constant 0 : i32
    %scan3A_13 = arith.constant 30 : i32
    %scan3A_14 = arith.addi %scan3A_12, %scan3A_13 : i32
    %scan3A_15 = arith.constant 1 : i32
    scf.for %scan3A_28 = %scan3A_12 to %scan3A_14 step %scan3A_15  : i32 {
      %mul3A_29 = arith.constant 2 : i32
      %mul3A_30 = arith.muli %mul3A_29, %scan3A_28 : i32
      %add3A_31 = arith.constant 1 : i32
      %add3A_32 = arith.addi %mul3A_30, %add3A_31 : i32
      %gt3A = arith.constant 0 : i32
      %gt3A_33 = arith.cmpi sgt, %scan3A_28, %gt3A : i32
      %convert_element_type3A = arith.extui %gt3A_33 : i1 to i32
      %cond3A = arith.constant 0 : i32
      %cond3A_34 = arith.cmpi ne, %convert_element_type3A, %cond3A : i32
      scf.if %cond3A_34 {
        %dma_wait3A_321 = arith.constant 0 : i32
        %dma_wait3A_322 = arith.constant 0 : i32
        %dma_wait3A_323 = tpu.memref_slice %arg4[%dma_wait3A_321, %dma_wait3A_322] : memref<384000x128xf32, #tpu.memory_space<hbm>> -> memref<200x128xf32, #tpu.memory_space<hbm>>
        %dma_wait3A_324 = arith.constant 0 : i32
        %dma_wait3A_325 = arith.constant 0 : i32
        %dma_wait3A_326 = tpu.memref_slice %arg4[%dma_wait3A_324, %dma_wait3A_325] : memref<384000x128xf32, #tpu.memory_space<hbm>> -> memref<200x128xf32, #tpu.memory_space<hbm>>
        tpu.wait_dma2 semaphore(%arg11 : memref<!tpu.dma_semaphore, #tpu.memory_space<semaphore_mem>>) src(%arg7 : memref<200x128xf32, #tpu.memory_space<vmem>>) dst(%dma_wait3A_326 : memref<200x128xf32, #tpu.memory_space<hbm>>)
      } else {
      }
      %jit3A = arith.constant 15 : i32
      %div3A = arith.divsi %add3A_32, %jit3A : i32
      %sign3A = arith.constant 0 : i32
      %sign3A_35 = arith.cmpi sgt, %add3A_32, %sign3A : i32
      %sign3A_36 = arith.extui %sign3A_35 : i1 to i32
      %sign3A_37 = arith.constant 0 : i32
      %sign3A_38 = arith.cmpi slt, %add3A_32, %sign3A_37 : i32
      %sign3A_39 = arith.extui %sign3A_38 : i1 to i32
      %sign3A_40 = arith.subi %sign3A_36, %sign3A_39 : i32
      %sign3A_41 = arith.constant 0 : i32
      %sign3A_42 = arith.cmpi sgt, %jit3A, %sign3A_41 : i32
      %sign3A_43 = arith.extui %sign3A_42 : i1 to i32
      %sign3A_44 = arith.constant 0 : i32
      %sign3A_45 = arith.cmpi slt, %jit3A, %sign3A_44 : i32
      %sign3A_46 = arith.extui %sign3A_45 : i1 to i32
      %sign3A_47 = arith.subi %sign3A_43, %sign3A_46 : i32
      %ne3A = arith.cmpi ne, %sign3A_40, %sign3A_47 : i32
      %rem3A = arith.remsi %add3A_32, %jit3A : i32
      %ne3A_48 = arith.constant 0 : i32
      %ne3A_49 = arith.cmpi ne, %rem3A, %ne3A_48 : i32
      %and3A = arith.andi %ne3A, %ne3A_49 : i1
      %sub3A = arith.constant 1 : i32
      %sub3A_50 = arith.subi %div3A, %sub3A : i32
      %select_n3A = arith.select %and3A, %sub3A_50, %div3A : i32
      %jit3A_51 = arith.constant 15 : i32
      %eq3A = arith.constant 0 : i32
      %eq3A_52 = arith.cmpi eq, %jit3A_51, %eq3A : i32
      %jit3A_53 = arith.constant 1 : i32
      %select_n3A_54 = arith.select %eq3A_52, %jit3A_53, %jit3A_51 : i32
      %rem3A_55 = arith.remsi %add3A_32, %select_n3A_54 : i32
      %ne3A_56 = arith.constant 0 : i32
      %ne3A_57 = arith.cmpi ne, %rem3A_55, %ne3A_56 : i32
      %lt3A = arith.constant 0 : i32
      %lt3A_58 = arith.cmpi slt, %rem3A_55, %lt3A : i32
      %lt3A_59 = arith.constant 0 : i32
      %lt3A_60 = arith.cmpi slt, %select_n3A_54, %lt3A_59 : i32
      %ne3A_61 = arith.xori %lt3A_58, %lt3A_60 : i1
      %and3A_62 = arith.andi %ne3A_61, %ne3A_57 : i1
      %add3A_63 = arith.addi %rem3A_55, %select_n3A_54 : i32
      %select_n3A_64 = arith.select %and3A_62, %add3A_63, %rem3A_55 : i32
      %mul3A_65 = arith.constant 4 : i32
      %mul3A_66 = arith.muli %add3A, %mul3A_65 : i32
      %add3A_67 = arith.addi %mul3A_66, %select_n3A : i32
      %mul3A_68 = arith.constant 3000 : i32
      %mul3A_69 = arith.muli %add3A_67, %mul3A_68 : i32
      %mul3A_70 = arith.constant 200 : i32
      %mul3A_71 = arith.muli %select_n3A_64, %mul3A_70 : i32
      %add3A_72 = arith.addi %mul3A_69, %mul3A_71 : i32
      %dma_start3A_73 = arith.constant 0 : i32
      %dma_start3A_74 = tpu.memref_slice %arg2[%add3A_72, %dma_start3A_73] : memref<384000x128xf32, #tpu.memory_space<hbm>> -> memref<200x128xf32, #tpu.memory_space<hbm>>
      %dma_start3A_75 = arith.constant 0 : i32
      %dma_start3A_76 = tpu.memref_slice %arg2[%add3A_72, %dma_start3A_75] : memref<384000x128xf32, #tpu.memory_space<hbm>> -> memref<200x128xf32, #tpu.memory_space<hbm>>
      tpu.enqueue_dma source(%dma_start3A_76 : memref<200x128xf32, #tpu.memory_space<hbm>>) target(%arg7 : memref<200x128xf32, #tpu.memory_space<vmem>>) target_semaphore(%arg9 : memref<!tpu.dma_semaphore, #tpu.memory_space<semaphore_mem>>)
      %dma_wait3A_77 = arith.constant 0 : i32
      %dma_wait3A_78 = arith.constant 0 : i32
      %dma_wait3A_79 = tpu.memref_slice %arg2[%dma_wait3A_77, %dma_wait3A_78] : memref<384000x128xf32, #tpu.memory_space<hbm>> -> memref<200x128xf32, #tpu.memory_space<hbm>>
      %dma_wait3A_80 = arith.constant 0 : i32
      %dma_wait3A_81 = arith.constant 0 : i32
      %dma_wait3A_82 = tpu.memref_slice %arg2[%dma_wait3A_80, %dma_wait3A_81] : memref<384000x128xf32, #tpu.memory_space<hbm>> -> memref<200x128xf32, #tpu.memory_space<hbm>>
      tpu.wait_dma2 semaphore(%arg8 : memref<!tpu.dma_semaphore, #tpu.memory_space<semaphore_mem>>) src(%dma_wait3A_82 : memref<200x128xf32, #tpu.memory_space<hbm>>) dst(%arg6 : memref<200x128xf32, #tpu.memory_space<vmem>>)
      %jit3A_83 = arith.constant 15 : i32
      %div3A_84 = arith.divsi %mul3A_30, %jit3A_83 : i32
      %sign3A_85 = arith.constant 0 : i32
      %sign3A_86 = arith.cmpi sgt, %mul3A_30, %sign3A_85 : i32
      %sign3A_87 = arith.extui %sign3A_86 : i1 to i32
      %sign3A_88 = arith.constant 0 : i32
      %sign3A_89 = arith.cmpi slt, %mul3A_30, %sign3A_88 : i32
      %sign3A_90 = arith.extui %sign3A_89 : i1 to i32
      %sign3A_91 = arith.subi %sign3A_87, %sign3A_90 : i32
      %sign3A_92 = arith.constant 0 : i32
      %sign3A_93 = arith.cmpi sgt, %jit3A_83, %sign3A_92 : i32
      %sign3A_94 = arith.extui %sign3A_93 : i1 to i32
      %sign3A_95 = arith.constant 0 : i32
      %sign3A_96 = arith.cmpi slt, %jit3A_83, %sign3A_95 : i32
      %sign3A_97 = arith.extui %sign3A_96 : i1 to i32
      %sign3A_98 = arith.subi %sign3A_94, %sign3A_97 : i32
      %ne3A_99 = arith.cmpi ne, %sign3A_91, %sign3A_98 : i32
      %rem3A_100 = arith.remsi %mul3A_30, %jit3A_83 : i32
      %ne3A_101 = arith.constant 0 : i32
      %ne3A_102 = arith.cmpi ne, %rem3A_100, %ne3A_101 : i32
      %and3A_103 = arith.andi %ne3A_99, %ne3A_102 : i1
      %sub3A_104 = arith.constant 1 : i32
      %sub3A_105 = arith.subi %div3A_84, %sub3A_104 : i32
      %select_n3A_106 = arith.select %and3A_103, %sub3A_105, %div3A_84 : i32
      %get3A = arith.index_cast %select_n3A_106 : i32 to index
      %get3A_107 = arith.constant 0 : index
      %get3A_108 = tpu.vector_load %arg5[%get3A, %get3A_107] {strides = array<i32>} : memref<4x128xf32, #tpu.memory_space<vmem>>, vector<1x16xf32>,
      %get3A_109 = vector.shape_cast %get3A_108 : vector<1x16xf32> to vector<16xf32>
      %get3A_110 = arith.index_cast %select_n3A_106 : i32 to index
      %get3A_111 = arith.constant 16 : index
      %get3A_112 = tpu.vector_load %arg5[%get3A_110, %get3A_111] {strides = array<i32>} : memref<4x128xf32, #tpu.memory_space<vmem>>, vector<1x16xf32>,
      %get3A_113 = vector.shape_cast %get3A_112 : vector<1x16xf32> to vector<16xf32>
      %get3A_114 = arith.index_cast %select_n3A_106 : i32 to index
      %get3A_115 = arith.constant 32 : index
      %get3A_116 = tpu.vector_load %arg5[%get3A_114, %get3A_115] {strides = array<i32>} : memref<4x128xf32, #tpu.memory_space<vmem>>, vector<1x16xf32>,
      %get3A_117 = vector.shape_cast %get3A_116 : vector<1x16xf32> to vector<16xf32>
      %get3A_118 = arith.index_cast %select_n3A_106 : i32 to index
      %get3A_119 = arith.constant 48 : index
      %get3A_120 = tpu.vector_load %arg5[%get3A_118, %get3A_119] {strides = array<i32>} : memref<4x128xf32, #tpu.memory_space<vmem>>, vector<1x16xf32>,
      %get3A_121 = vector.shape_cast %get3A_120 : vector<1x16xf32> to vector<16xf32>
      %get3A_122 = arith.index_cast %select_n3A_106 : i32 to index
      %get3A_123 = arith.constant 64 : index
      %get3A_124 = tpu.vector_load %arg5[%get3A_122, %get3A_123] {strides = array<i32>} : memref<4x128xf32, #tpu.memory_space<vmem>>, vector<1x16xf32>,
      %get3A_125 = vector.shape_cast %get3A_124 : vector<1x16xf32> to vector<16xf32>
      %get3A_126 = arith.index_cast %select_n3A_106 : i32 to index
      %get3A_127 = arith.constant 80 : index
      %get3A_128 = tpu.vector_load %arg5[%get3A_126, %get3A_127] {strides = array<i32>} : memref<4x128xf32, #tpu.memory_space<vmem>>, vector<1x16xf32>,
      %get3A_129 = vector.shape_cast %get3A_128 : vector<1x16xf32> to vector<16xf32>
      %get3A_130 = arith.index_cast %select_n3A_106 : i32 to index
      %get3A_131 = arith.constant 96 : index
      %get3A_132 = tpu.vector_load %arg5[%get3A_130, %get3A_131] {strides = array<i32>} : memref<4x128xf32, #tpu.memory_space<vmem>>, vector<1x16xf32>,
      %get3A_133 = vector.shape_cast %get3A_132 : vector<1x16xf32> to vector<16xf32>
      %get3A_134 = arith.index_cast %select_n3A_106 : i32 to index
      %get3A_135 = arith.constant 112 : index
      %get3A_136 = tpu.vector_load %arg5[%get3A_134, %get3A_135] {strides = array<i32>} : memref<4x128xf32, #tpu.memory_space<vmem>>, vector<1x16xf32>,
      %get3A_137 = vector.shape_cast %get3A_136 : vector<1x16xf32> to vector<16xf32>
      %scan3A_138 = arith.constant 0 : i32
      %scan3A_139 = arith.constant 0 : i32
      %scan3A_140 = arith.constant 200 : i32
      %scan3A_141 = arith.addi %scan3A_139, %scan3A_140 : i32
      %scan3A_142 = arith.constant 1 : i32
      scf.for %scan3A_321 = %scan3A_139 to %scan3A_141 step %scan3A_142  : i32 {
        %get3A_322 = arith.index_cast %scan3A_321 : i32 to index
        %get3A_323 = arith.constant 0 : index
        %get3A_324 = tpu.vector_load %arg6[%get3A_322, %get3A_323] {strides = array<i32>} : memref<200x128xf32, #tpu.memory_space<vmem>>, vector<1x16xf32>,
        %get3A_325 = vector.shape_cast %get3A_324 : vector<1x16xf32> to vector<16xf32>
        %mul3A_326 = arith.mulf %get3A_325, %get3A_109 : vector<16xf32>
        %swap3A = arith.index_cast %scan3A_321 : i32 to index
        %swap3A_327 = arith.constant 0 : index
        %swap3A_328 = tpu.vector_load %arg6[%swap3A, %swap3A_327] {strides = array<i32>} : memref<200x128xf32, #tpu.memory_space<vmem>>, vector<1x16xf32>,
        %swap3A_329 = vector.shape_cast %swap3A_328 : vector<1x16xf32> to vector<16xf32>
        %swap3A_330 = vector.shape_cast %mul3A_326 : vector<16xf32> to vector<1x16xf32>
        tpu.vector_store %arg6[%swap3A, %swap3A_327], %swap3A_330 {strides = array<i32>} : memref<200x128xf32, #tpu.memory_space<vmem>>, vector<1x16xf32>,
        %get3A_331 = arith.index_cast %scan3A_321 : i32 to index
        %get3A_332 = arith.constant 16 : index
        %get3A_333 = tpu.vector_load %arg6[%get3A_331, %get3A_332] {strides = array<i32>} : memref<200x128xf32, #tpu.memory_space<vmem>>, vector<1x16xf32>,
        %get3A_334 = vector.shape_cast %get3A_333 : vector<1x16xf32> to vector<16xf32>
        %mul3A_335 = arith.mulf %get3A_334, %get3A_113 : vector<16xf32>
        %swap3A_336 = arith.index_cast %scan3A_321 : i32 to index
        %swap3A_337 = arith.constant 16 : index
        %swap3A_338 = tpu.vector_load %arg6[%swap3A_336, %swap3A_337] {strides = array<i32>} : memref<200x128xf32, #tpu.memory_space<vmem>>, vector<1x16xf32>,
        %swap3A_339 = vector.shape_cast %swap3A_338 : vector<1x16xf32> to vector<16xf32>
        %swap3A_340 = vector.shape_cast %mul3A_335 : vector<16xf32> to vector<1x16xf32>
        tpu.vector_store %arg6[%swap3A_336, %swap3A_337], %swap3A_340 {strides = array<i32>} : memref<200x128xf32, #tpu.memory_space<vmem>>, vector<1x16xf32>,
        %get3A_341 = arith.index_cast %scan3A_321 : i32 to index
        %get3A_342 = arith.constant 32 : index
        %get3A_343 = tpu.vector_load %arg6[%get3A_341, %get3A_342] {strides = array<i32>} : memref<200x128xf32, #tpu.memory_space<vmem>>, vector<1x16xf32>,
        %get3A_344 = vector.shape_cast %get3A_343 : vector<1x16xf32> to vector<16xf32>
        %mul3A_345 = arith.mulf %get3A_344, %get3A_117 : vector<16xf32>
        %swap3A_346 = arith.index_cast %scan3A_321 : i32 to index
        %swap3A_347 = arith.constant 32 : index
        %swap3A_348 = tpu.vector_load %arg6[%swap3A_346, %swap3A_347] {strides = array<i32>} : memref<200x128xf32, #tpu.memory_space<vmem>>, vector<1x16xf32>,
        %swap3A_349 = vector.shape_cast %swap3A_348 : vector<1x16xf32> to vector<16xf32>
        %swap3A_350 = vector.shape_cast %mul3A_345 : vector<16xf32> to vector<1x16xf32>
        tpu.vector_store %arg6[%swap3A_346, %swap3A_347], %swap3A_350 {strides = array<i32>} : memref<200x128xf32, #tpu.memory_space<vmem>>, vector<1x16xf32>,
        %get3A_351 = arith.index_cast %scan3A_321 : i32 to index
        %get3A_352 = arith.constant 48 : index
        %get3A_353 = tpu.vector_load %arg6[%get3A_351, %get3A_352] {strides = array<i32>} : memref<200x128xf32, #tpu.memory_space<vmem>>, vector<1x16xf32>,
        %get3A_354 = vector.shape_cast %get3A_353 : vector<1x16xf32> to vector<16xf32>
        %mul3A_355 = arith.mulf %get3A_354, %get3A_121 : vector<16xf32>
        %swap3A_356 = arith.index_cast %scan3A_321 : i32 to index
        %swap3A_357 = arith.constant 48 : index
        %swap3A_358 = tpu.vector_load %arg6[%swap3A_356, %swap3A_357] {strides = array<i32>} : memref<200x128xf32, #tpu.memory_space<vmem>>, vector<1x16xf32>,
        %swap3A_359 = vector.shape_cast %swap3A_358 : vector<1x16xf32> to vector<16xf32>
        %swap3A_360 = vector.shape_cast %mul3A_355 : vector<16xf32> to vector<1x16xf32>
        tpu.vector_store %arg6[%swap3A_356, %swap3A_357], %swap3A_360 {strides = array<i32>} : memref<200x128xf32, #tpu.memory_space<vmem>>, vector<1x16xf32>,
        %get3A_361 = arith.index_cast %scan3A_321 : i32 to index
        %get3A_362 = arith.constant 64 : index
        %get3A_363 = tpu.vector_load %arg6[%get3A_361, %get3A_362] {strides = array<i32>} : memref<200x128xf32, #tpu.memory_space<vmem>>, vector<1x16xf32>,
        %get3A_364 = vector.shape_cast %get3A_363 : vector<1x16xf32> to vector<16xf32>
        %mul3A_365 = arith.mulf %get3A_364, %get3A_125 : vector<16xf32>
        %swap3A_366 = arith.index_cast %scan3A_321 : i32 to index
        %swap3A_367 = arith.constant 64 : index
        %swap3A_368 = tpu.vector_load %arg6[%swap3A_366, %swap3A_367] {strides = array<i32>} : memref<200x128xf32, #tpu.memory_space<vmem>>, vector<1x16xf32>,
        %swap3A_369 = vector.shape_cast %swap3A_368 : vector<1x16xf32> to vector<16xf32>
        %swap3A_370 = vector.shape_cast %mul3A_365 : vector<16xf32> to vector<1x16xf32>
        tpu.vector_store %arg6[%swap3A_366, %swap3A_367], %swap3A_370 {strides = array<i32>} : memref<200x128xf32, #tpu.memory_space<vmem>>, vector<1x16xf32>,
        %get3A_371 = arith.index_cast %scan3A_321 : i32 to index
        %get3A_372 = arith.constant 80 : index
        %get3A_373 = tpu.vector_load %arg6[%get3A_371, %get3A_372] {strides = array<i32>} : memref<200x128xf32, #tpu.memory_space<vmem>>, vector<1x16xf32>,
        %get3A_374 = vector.shape_cast %get3A_373 : vector<1x16xf32> to vector<16xf32>
        %mul3A_375 = arith.mulf %get3A_374, %get3A_129 : vector<16xf32>
        %swap3A_376 = arith.index_cast %scan3A_321 : i32 to index
        %swap3A_377 = arith.constant 80 : index
        %swap3A_378 = tpu.vector_load %arg6[%swap3A_376, %swap3A_377] {strides = array<i32>} : memref<200x128xf32, #tpu.memory_space<vmem>>, vector<1x16xf32>,
        %swap3A_379 = vector.shape_cast %swap3A_378 : vector<1x16xf32> to vector<16xf32>
        %swap3A_380 = vector.shape_cast %mul3A_375 : vector<16xf32> to vector<1x16xf32>
        tpu.vector_store %arg6[%swap3A_376, %swap3A_377], %swap3A_380 {strides = array<i32>} : memref<200x128xf32, #tpu.memory_space<vmem>>, vector<1x16xf32>,
        %get3A_381 = arith.index_cast %scan3A_321 : i32 to index
        %get3A_382 = arith.constant 96 : index
        %get3A_383 = tpu.vector_load %arg6[%get3A_381, %get3A_382] {strides = array<i32>} : memref<200x128xf32, #tpu.memory_space<vmem>>, vector<1x16xf32>,
        %get3A_384 = vector.shape_cast %get3A_383 : vector<1x16xf32> to vector<16xf32>
        %mul3A_385 = arith.mulf %get3A_384, %get3A_133 : vector<16xf32>
        %swap3A_386 = arith.index_cast %scan3A_321 : i32 to index
        %swap3A_387 = arith.constant 96 : index
        %swap3A_388 = tpu.vector_load %arg6[%swap3A_386, %swap3A_387] {strides = array<i32>} : memref<200x128xf32, #tpu.memory_space<vmem>>, vector<1x16xf32>,
        %swap3A_389 = vector.shape_cast %swap3A_388 : vector<1x16xf32> to vector<16xf32>
        %swap3A_390 = vector.shape_cast %mul3A_385 : vector<16xf32> to vector<1x16xf32>
        tpu.vector_store %arg6[%swap3A_386, %swap3A_387], %swap3A_390 {strides = array<i32>} : memref<200x128xf32, #tpu.memory_space<vmem>>, vector<1x16xf32>,
        %get3A_391 = arith.index_cast %scan3A_321 : i32 to index
        %get3A_392 = arith.constant 112 : index
        %get3A_393 = tpu.vector_load %arg6[%get3A_391, %get3A_392] {strides = array<i32>} : memref<200x128xf32, #tpu.memory_space<vmem>>, vector<1x16xf32>,
        %get3A_394 = vector.shape_cast %get3A_393 : vector<1x16xf32> to vector<16xf32>
        %mul3A_395 = arith.mulf %get3A_394, %get3A_137 : vector<16xf32>
        %swap3A_396 = arith.index_cast %scan3A_321 : i32 to index
        %swap3A_397 = arith.constant 112 : index
        %swap3A_398 = tpu.vector_load %arg6[%swap3A_396, %swap3A_397] {strides = array<i32>} : memref<200x128xf32, #tpu.memory_space<vmem>>, vector<1x16xf32>,
        %swap3A_399 = vector.shape_cast %swap3A_398 : vector<1x16xf32> to vector<16xf32>
        %swap3A_400 = vector.shape_cast %mul3A_395 : vector<16xf32> to vector<1x16xf32>
        tpu.vector_store %arg6[%swap3A_396, %swap3A_397], %swap3A_400 {strides = array<i32>} : memref<200x128xf32, #tpu.memory_space<vmem>>, vector<1x16xf32>,
      }
      %scan3A_143 = arith.constant 200 : i32
      %jit3A_144 = arith.constant 15 : i32
      %div3A_145 = arith.divsi %mul3A_30, %jit3A_144 : i32
      %sign3A_146 = arith.constant 0 : i32
      %sign3A_147 = arith.cmpi sgt, %mul3A_30, %sign3A_146 : i32
      %sign3A_148 = arith.extui %sign3A_147 : i1 to i32
      %sign3A_149 = arith.constant 0 : i32
      %sign3A_150 = arith.cmpi slt, %mul3A_30, %sign3A_149 : i32
      %sign3A_151 = arith.extui %sign3A_150 : i1 to i32
      %sign3A_152 = arith.subi %sign3A_148, %sign3A_151 : i32
      %sign3A_153 = arith.constant 0 : i32
      %sign3A_154 = arith.cmpi sgt, %jit3A_144, %sign3A_153 : i32
      %sign3A_155 = arith.extui %sign3A_154 : i1 to i32
      %sign3A_156 = arith.constant 0 : i32
      %sign3A_157 = arith.cmpi slt, %jit3A_144, %sign3A_156 : i32
      %sign3A_158 = arith.extui %sign3A_157 : i1 to i32
      %sign3A_159 = arith.subi %sign3A_155, %sign3A_158 : i32
      %ne3A_160 = arith.cmpi ne, %sign3A_152, %sign3A_159 : i32
      %rem3A_161 = arith.remsi %mul3A_30, %jit3A_144 : i32
      %ne3A_162 = arith.constant 0 : i32
      %ne3A_163 = arith.cmpi ne, %rem3A_161, %ne3A_162 : i32
      %and3A_164 = arith.andi %ne3A_160, %ne3A_163 : i1
      %sub3A_165 = arith.constant 1 : i32
      %sub3A_166 = arith.subi %div3A_145, %sub3A_165 : i32
      %select_n3A_167 = arith.select %and3A_164, %sub3A_166, %div3A_145 : i32
      %jit3A_168 = arith.constant 15 : i32
      %eq3A_169 = arith.constant 0 : i32
      %eq3A_170 = arith.cmpi eq, %jit3A_168, %eq3A_169 : i32
      %jit3A_171 = arith.constant 1 : i32
      %select_n3A_172 = arith.select %eq3A_170, %jit3A_171, %jit3A_168 : i32
      %rem3A_173 = arith.remsi %mul3A_30, %select_n3A_172 : i32
      %ne3A_174 = arith.constant 0 : i32
      %ne3A_175 = arith.cmpi ne, %rem3A_173, %ne3A_174 : i32
      %lt3A_176 = arith.constant 0 : i32
      %lt3A_177 = arith.cmpi slt, %rem3A_173, %lt3A_176 : i32
      %lt3A_178 = arith.constant 0 : i32
      %lt3A_179 = arith.cmpi slt, %select_n3A_172, %lt3A_178 : i32
      %ne3A_180 = arith.xori %lt3A_177, %lt3A_179 : i1
      %and3A_181 = arith.andi %ne3A_180, %ne3A_175 : i1
      %add3A_182 = arith.addi %rem3A_173, %select_n3A_172 : i32
      %select_n3A_183 = arith.select %and3A_181, %add3A_182, %rem3A_173 : i32
      %mul3A_184 = arith.constant 4 : i32
      %mul3A_185 = arith.muli %add3A, %mul3A_184 : i32
      %add3A_186 = arith.addi %mul3A_185, %select_n3A_167 : i32
      %mul3A_187 = arith.constant 3000 : i32
      %mul3A_188 = arith.muli %add3A_186, %mul3A_187 : i32
      %mul3A_189 = arith.constant 200 : i32
      %mul3A_190 = arith.muli %select_n3A_183, %mul3A_189 : i32
      %add3A_191 = arith.addi %mul3A_188, %mul3A_190 : i32
      %dma_start3A_192 = arith.constant 0 : i32
      %dma_start3A_193 = tpu.memref_slice %arg4[%add3A_191, %dma_start3A_192] : memref<384000x128xf32, #tpu.memory_space<hbm>> -> memref<200x128xf32, #tpu.memory_space<hbm>>
      %dma_start3A_194 = arith.constant 0 : i32
      %dma_start3A_195 = tpu.memref_slice %arg4[%add3A_191, %dma_start3A_194] : memref<384000x128xf32, #tpu.memory_space<hbm>> -> memref<200x128xf32, #tpu.memory_space<hbm>>
      tpu.enqueue_dma source(%arg6 : memref<200x128xf32, #tpu.memory_space<vmem>>) target(%dma_start3A_195 : memref<200x128xf32, #tpu.memory_space<hbm>>) target_semaphore(%arg10 : memref<!tpu.dma_semaphore, #tpu.memory_space<semaphore_mem>>)
      %dma_wait3A_196 = arith.constant 0 : i32
      %dma_wait3A_197 = arith.constant 0 : i32
      %dma_wait3A_198 = tpu.memref_slice %arg2[%dma_wait3A_196, %dma_wait3A_197] : memref<384000x128xf32, #tpu.memory_space<hbm>> -> memref<200x128xf32, #tpu.memory_space<hbm>>
      %dma_wait3A_199 = arith.constant 0 : i32
      %dma_wait3A_200 = arith.constant 0 : i32
      %dma_wait3A_201 = tpu.memref_slice %arg2[%dma_wait3A_199, %dma_wait3A_200] : memref<384000x128xf32, #tpu.memory_space<hbm>> -> memref<200x128xf32, #tpu.memory_space<hbm>>
      tpu.wait_dma2 semaphore(%arg9 : memref<!tpu.dma_semaphore, #tpu.memory_space<semaphore_mem>>) src(%dma_wait3A_201 : memref<200x128xf32, #tpu.memory_space<hbm>>) dst(%arg7 : memref<200x128xf32, #tpu.memory_space<vmem>>)
      %jit3A_202 = arith.constant 15 : i32
      %div3A_203 = arith.divsi %add3A_32, %jit3A_202 : i32
      %sign3A_204 = arith.constant 0 : i32
      %sign3A_205 = arith.cmpi sgt, %add3A_32, %sign3A_204 : i32
      %sign3A_206 = arith.extui %sign3A_205 : i1 to i32
      %sign3A_207 = arith.constant 0 : i32
      %sign3A_208 = arith.cmpi slt, %add3A_32, %sign3A_207 : i32
      %sign3A_209 = arith.extui %sign3A_208 : i1 to i32
      %sign3A_210 = arith.subi %sign3A_206, %sign3A_209 : i32
      %sign3A_211 = arith.constant 0 : i32
      %sign3A_212 = arith.cmpi sgt, %jit3A_202, %sign3A_211 : i32
      %sign3A_213 = arith.extui %sign3A_212 : i1 to i32
      %sign3A_214 = arith.constant 0 : i32
      %sign3A_215 = arith.cmpi slt, %jit3A_202, %sign3A_214 : i32
      %sign3A_216 = arith.extui %sign3A_215 : i1 to i32
      %sign3A_217 = arith.subi %sign3A_213, %sign3A_216 : i32
      %ne3A_218 = arith.cmpi ne, %sign3A_210, %sign3A_217 : i32
      %rem3A_219 = arith.remsi %add3A_32, %jit3A_202 : i32
      %ne3A_220 = arith.constant 0 : i32
      %ne3A_221 = arith.cmpi ne, %rem3A_219, %ne3A_220 : i32
      %and3A_222 = arith.andi %ne3A_218, %ne3A_221 : i1
      %sub3A_223 = arith.constant 1 : i32
      %sub3A_224 = arith.subi %div3A_203, %sub3A_223 : i32
      %select_n3A_225 = arith.select %and3A_222, %sub3A_224, %div3A_203 : i32
      %get3A_226 = arith.index_cast %select_n3A_225 : i32 to index
      %get3A_227 = arith.constant 0 : index
      %get3A_228 = tpu.vector_load %arg5[%get3A_226, %get3A_227] {strides = array<i32>} : memref<4x128xf32, #tpu.memory_space<vmem>>, vector<1x16xf32>,
      %get3A_229 = vector.shape_cast %get3A_228 : vector<1x16xf32> to vector<16xf32>
      %get3A_230 = arith.index_cast %select_n3A_225 : i32 to index
      %get3A_231 = arith.constant 16 : index
      %get3A_232 = tpu.vector_load %arg5[%get3A_230, %get3A_231] {strides = array<i32>} : memref<4x128xf32, #tpu.memory_space<vmem>>, vector<1x16xf32>,
      %get3A_233 = vector.shape_cast %get3A_232 : vector<1x16xf32> to vector<16xf32>
      %get3A_234 = arith.index_cast %select_n3A_225 : i32 to index
      %get3A_235 = arith.constant 32 : index
      %get3A_236 = tpu.vector_load %arg5[%get3A_234, %get3A_235] {strides = array<i32>} : memref<4x128xf32, #tpu.memory_space<vmem>>, vector<1x16xf32>,
      %get3A_237 = vector.shape_cast %get3A_236 : vector<1x16xf32> to vector<16xf32>
      %get3A_238 = arith.index_cast %select_n3A_225 : i32 to index
      %get3A_239 = arith.constant 48 : index
      %get3A_240 = tpu.vector_load %arg5[%get3A_238, %get3A_239] {strides = array<i32>} : memref<4x128xf32, #tpu.memory_space<vmem>>, vector<1x16xf32>,
      %get3A_241 = vector.shape_cast %get3A_240 : vector<1x16xf32> to vector<16xf32>
      %get3A_242 = arith.index_cast %select_n3A_225 : i32 to index
      %get3A_243 = arith.constant 64 : index
      %get3A_244 = tpu.vector_load %arg5[%get3A_242, %get3A_243] {strides = array<i32>} : memref<4x128xf32, #tpu.memory_space<vmem>>, vector<1x16xf32>,
      %get3A_245 = vector.shape_cast %get3A_244 : vector<1x16xf32> to vector<16xf32>
      %get3A_246 = arith.index_cast %select_n3A_225 : i32 to index
      %get3A_247 = arith.constant 80 : index
      %get3A_248 = tpu.vector_load %arg5[%get3A_246, %get3A_247] {strides = array<i32>} : memref<4x128xf32, #tpu.memory_space<vmem>>, vector<1x16xf32>,
      %get3A_249 = vector.shape_cast %get3A_248 : vector<1x16xf32> to vector<16xf32>
      %get3A_250 = arith.index_cast %select_n3A_225 : i32 to index
      %get3A_251 = arith.constant 96 : index
      %get3A_252 = tpu.vector_load %arg5[%get3A_250, %get3A_251] {strides = array<i32>} : memref<4x128xf32, #tpu.memory_space<vmem>>, vector<1x16xf32>,
      %get3A_253 = vector.shape_cast %get3A_252 : vector<1x16xf32> to vector<16xf32>
      %get3A_254 = arith.index_cast %select_n3A_225 : i32 to index
      %get3A_255 = arith.constant 112 : index
      %get3A_256 = tpu.vector_load %arg5[%get3A_254, %get3A_255] {strides = array<i32>} : memref<4x128xf32, #tpu.memory_space<vmem>>, vector<1x16xf32>,
      %get3A_257 = vector.shape_cast %get3A_256 : vector<1x16xf32> to vector<16xf32>
      %scan3A_258 = arith.constant 0 : i32
      %scan3A_259 = arith.constant 0 : i32
      %scan3A_260 = arith.constant 200 : i32
      %scan3A_261 = arith.addi %scan3A_259, %scan3A_260 : i32
      %scan3A_262 = arith.constant 1 : i32
      scf.for %scan3A_321 = %scan3A_259 to %scan3A_261 step %scan3A_262  : i32 {
        %get3A_322 = arith.index_cast %scan3A_321 : i32 to index
        %get3A_323 = arith.constant 0 : index
        %get3A_324 = tpu.vector_load %arg7[%get3A_322, %get3A_323] {strides = array<i32>} : memref<200x128xf32, #tpu.memory_space<vmem>>, vector<1x16xf32>,
        %get3A_325 = vector.shape_cast %get3A_324 : vector<1x16xf32> to vector<16xf32>
        %mul3A_326 = arith.mulf %get3A_325, %get3A_229 : vector<16xf32>
        %swap3A = arith.index_cast %scan3A_321 : i32 to index
        %swap3A_327 = arith.constant 0 : index
        %swap3A_328 = tpu.vector_load %arg7[%swap3A, %swap3A_327] {strides = array<i32>} : memref<200x128xf32, #tpu.memory_space<vmem>>, vector<1x16xf32>,
        %swap3A_329 = vector.shape_cast %swap3A_328 : vector<1x16xf32> to vector<16xf32>
        %swap3A_330 = vector.shape_cast %mul3A_326 : vector<16xf32> to vector<1x16xf32>
        tpu.vector_store %arg7[%swap3A, %swap3A_327], %swap3A_330 {strides = array<i32>} : memref<200x128xf32, #tpu.memory_space<vmem>>, vector<1x16xf32>,
        %get3A_331 = arith.index_cast %scan3A_321 : i32 to index
        %get3A_332 = arith.constant 16 : index
        %get3A_333 = tpu.vector_load %arg7[%get3A_331, %get3A_332] {strides = array<i32>} : memref<200x128xf32, #tpu.memory_space<vmem>>, vector<1x16xf32>,
        %get3A_334 = vector.shape_cast %get3A_333 : vector<1x16xf32> to vector<16xf32>
        %mul3A_335 = arith.mulf %get3A_334, %get3A_233 : vector<16xf32>
        %swap3A_336 = arith.index_cast %scan3A_321 : i32 to index
        %swap3A_337 = arith.constant 16 : index
        %swap3A_338 = tpu.vector_load %arg7[%swap3A_336, %swap3A_337] {strides = array<i32>} : memref<200x128xf32, #tpu.memory_space<vmem>>, vector<1x16xf32>,
        %swap3A_339 = vector.shape_cast %swap3A_338 : vector<1x16xf32> to vector<16xf32>
        %swap3A_340 = vector.shape_cast %mul3A_335 : vector<16xf32> to vector<1x16xf32>
        tpu.vector_store %arg7[%swap3A_336, %swap3A_337], %swap3A_340 {strides = array<i32>} : memref<200x128xf32, #tpu.memory_space<vmem>>, vector<1x16xf32>,
        %get3A_341 = arith.index_cast %scan3A_321 : i32 to index
        %get3A_342 = arith.constant 32 : index
        %get3A_343 = tpu.vector_load %arg7[%get3A_341, %get3A_342] {strides = array<i32>} : memref<200x128xf32, #tpu.memory_space<vmem>>, vector<1x16xf32>,
        %get3A_344 = vector.shape_cast %get3A_343 : vector<1x16xf32> to vector<16xf32>
        %mul3A_345 = arith.mulf %get3A_344, %get3A_237 : vector<16xf32>
        %swap3A_346 = arith.index_cast %scan3A_321 : i32 to index
        %swap3A_347 = arith.constant 32 : index
        %swap3A_348 = tpu.vector_load %arg7[%swap3A_346, %swap3A_347] {strides = array<i32>} : memref<200x128xf32, #tpu.memory_space<vmem>>, vector<1x16xf32>,
        %swap3A_349 = vector.shape_cast %swap3A_348 : vector<1x16xf32> to vector<16xf32>
        %swap3A_350 = vector.shape_cast %mul3A_345 : vector<16xf32> to vector<1x16xf32>
        tpu.vector_store %arg7[%swap3A_346, %swap3A_347], %swap3A_350 {strides = array<i32>} : memref<200x128xf32, #tpu.memory_space<vmem>>, vector<1x16xf32>,
        %get3A_351 = arith.index_cast %scan3A_321 : i32 to index
        %get3A_352 = arith.constant 48 : index
        %get3A_353 = tpu.vector_load %arg7[%get3A_351, %get3A_352] {strides = array<i32>} : memref<200x128xf32, #tpu.memory_space<vmem>>, vector<1x16xf32>,
        %get3A_354 = vector.shape_cast %get3A_353 : vector<1x16xf32> to vector<16xf32>
        %mul3A_355 = arith.mulf %get3A_354, %get3A_241 : vector<16xf32>
        %swap3A_356 = arith.index_cast %scan3A_321 : i32 to index
        %swap3A_357 = arith.constant 48 : index
        %swap3A_358 = tpu.vector_load %arg7[%swap3A_356, %swap3A_357] {strides = array<i32>} : memref<200x128xf32, #tpu.memory_space<vmem>>, vector<1x16xf32>,
        %swap3A_359 = vector.shape_cast %swap3A_358 : vector<1x16xf32> to vector<16xf32>
        %swap3A_360 = vector.shape_cast %mul3A_355 : vector<16xf32> to vector<1x16xf32>
        tpu.vector_store %arg7[%swap3A_356, %swap3A_357], %swap3A_360 {strides = array<i32>} : memref<200x128xf32, #tpu.memory_space<vmem>>, vector<1x16xf32>,
        %get3A_361 = arith.index_cast %scan3A_321 : i32 to index
        %get3A_362 = arith.constant 64 : index
        %get3A_363 = tpu.vector_load %arg7[%get3A_361, %get3A_362] {strides = array<i32>} : memref<200x128xf32, #tpu.memory_space<vmem>>, vector<1x16xf32>,
        %get3A_364 = vector.shape_cast %get3A_363 : vector<1x16xf32> to vector<16xf32>
        %mul3A_365 = arith.mulf %get3A_364, %get3A_245 : vector<16xf32>
        %swap3A_366 = arith.index_cast %scan3A_321 : i32 to index
        %swap3A_367 = arith.constant 64 : index
        %swap3A_368 = tpu.vector_load %arg7[%swap3A_366, %swap3A_367] {strides = array<i32>} : memref<200x128xf32, #tpu.memory_space<vmem>>, vector<1x16xf32>,
        %swap3A_369 = vector.shape_cast %swap3A_368 : vector<1x16xf32> to vector<16xf32>
        %swap3A_370 = vector.shape_cast %mul3A_365 : vector<16xf32> to vector<1x16xf32>
        tpu.vector_store %arg7[%swap3A_366, %swap3A_367], %swap3A_370 {strides = array<i32>} : memref<200x128xf32, #tpu.memory_space<vmem>>, vector<1x16xf32>,
        %get3A_371 = arith.index_cast %scan3A_321 : i32 to index
        %get3A_372 = arith.constant 80 : index
        %get3A_373 = tpu.vector_load %arg7[%get3A_371, %get3A_372] {strides = array<i32>} : memref<200x128xf32, #tpu.memory_space<vmem>>, vector<1x16xf32>,
        %get3A_374 = vector.shape_cast %get3A_373 : vector<1x16xf32> to vector<16xf32>
        %mul3A_375 = arith.mulf %get3A_374, %get3A_249 : vector<16xf32>
        %swap3A_376 = arith.index_cast %scan3A_321 : i32 to index
        %swap3A_377 = arith.constant 80 : index
        %swap3A_378 = tpu.vector_load %arg7[%swap3A_376, %swap3A_377] {strides = array<i32>} : memref<200x128xf32, #tpu.memory_space<vmem>>, vector<1x16xf32>,
        %swap3A_379 = vector.shape_cast %swap3A_378 : vector<1x16xf32> to vector<16xf32>
        %swap3A_380 = vector.shape_cast %mul3A_375 : vector<16xf32> to vector<1x16xf32>
        tpu.vector_store %arg7[%swap3A_376, %swap3A_377], %swap3A_380 {strides = array<i32>} : memref<200x128xf32, #tpu.memory_space<vmem>>, vector<1x16xf32>,
        %get3A_381 = arith.index_cast %scan3A_321 : i32 to index
        %get3A_382 = arith.constant 96 : index
        %get3A_383 = tpu.vector_load %arg7[%get3A_381, %get3A_382] {strides = array<i32>} : memref<200x128xf32, #tpu.memory_space<vmem>>, vector<1x16xf32>,
        %get3A_384 = vector.shape_cast %get3A_383 : vector<1x16xf32> to vector<16xf32>
        %mul3A_385 = arith.mulf %get3A_384, %get3A_253 : vector<16xf32>
        %swap3A_386 = arith.index_cast %scan3A_321 : i32 to index
        %swap3A_387 = arith.constant 96 : index
        %swap3A_388 = tpu.vector_load %arg7[%swap3A_386, %swap3A_387] {strides = array<i32>} : memref<200x128xf32, #tpu.memory_space<vmem>>, vector<1x16xf32>,
        %swap3A_389 = vector.shape_cast %swap3A_388 : vector<1x16xf32> to vector<16xf32>
        %swap3A_390 = vector.shape_cast %mul3A_385 : vector<16xf32> to vector<1x16xf32>
        tpu.vector_store %arg7[%swap3A_386, %swap3A_387], %swap3A_390 {strides = array<i32>} : memref<200x128xf32, #tpu.memory_space<vmem>>, vector<1x16xf32>,
        %get3A_391 = arith.index_cast %scan3A_321 : i32 to index
        %get3A_392 = arith.constant 112 : index
        %get3A_393 = tpu.vector_load %arg7[%get3A_391, %get3A_392] {strides = array<i32>} : memref<200x128xf32, #tpu.memory_space<vmem>>, vector<1x16xf32>,
        %get3A_394 = vector.shape_cast %get3A_393 : vector<1x16xf32> to vector<16xf32>
        %mul3A_395 = arith.mulf %get3A_394, %get3A_257 : vector<16xf32>
        %swap3A_396 = arith.index_cast %scan3A_321 : i32 to index
        %swap3A_397 = arith.constant 112 : index
        %swap3A_398 = tpu.vector_load %arg7[%swap3A_396, %swap3A_397] {strides = array<i32>} : memref<200x128xf32, #tpu.memory_space<vmem>>, vector<1x16xf32>,
        %swap3A_399 = vector.shape_cast %swap3A_398 : vector<1x16xf32> to vector<16xf32>
        %swap3A_400 = vector.shape_cast %mul3A_395 : vector<16xf32> to vector<1x16xf32>
        tpu.vector_store %arg7[%swap3A_396, %swap3A_397], %swap3A_400 {strides = array<i32>} : memref<200x128xf32, #tpu.memory_space<vmem>>, vector<1x16xf32>,
      }
      %scan3A_263 = arith.constant 200 : i32
      %jit3A_264 = arith.constant 15 : i32
      %div3A_265 = arith.divsi %add3A_32, %jit3A_264 : i32
      %sign3A_266 = arith.constant 0 : i32
      %sign3A_267 = arith.cmpi sgt, %add3A_32, %sign3A_266 : i32
      %sign3A_268 = arith.extui %sign3A_267 : i1 to i32
      %sign3A_269 = arith.constant 0 : i32
      %sign3A_270 = arith.cmpi slt, %add3A_32, %sign3A_269 : i32
      %sign3A_271 = arith.extui %sign3A_270 : i1 to i32
      %sign3A_272 = arith.subi %sign3A_268, %sign3A_271 : i32
      %sign3A_273 = arith.constant 0 : i32
      %sign3A_274 = arith.cmpi sgt, %jit3A_264, %sign3A_273 : i32
      %sign3A_275 = arith.extui %sign3A_274 : i1 to i32
      %sign3A_276 = arith.constant 0 : i32
      %sign3A_277 = arith.cmpi slt, %jit3A_264, %sign3A_276 : i32
      %sign3A_278 = arith.extui %sign3A_277 : i1 to i32
      %sign3A_279 = arith.subi %sign3A_275, %sign3A_278 : i32
      %ne3A_280 = arith.cmpi ne, %sign3A_272, %sign3A_279 : i32
      %rem3A_281 = arith.remsi %add3A_32, %jit3A_264 : i32
      %ne3A_282 = arith.constant 0 : i32
      %ne3A_283 = arith.cmpi ne, %rem3A_281, %ne3A_282 : i32
      %and3A_284 = arith.andi %ne3A_280, %ne3A_283 : i1
      %sub3A_285 = arith.constant 1 : i32
      %sub3A_286 = arith.subi %div3A_265, %sub3A_285 : i32
      %select_n3A_287 = arith.select %and3A_284, %sub3A_286, %div3A_265 : i32
      %jit3A_288 = arith.constant 15 : i32
      %eq3A_289 = arith.constant 0 : i32
      %eq3A_290 = arith.cmpi eq, %jit3A_288, %eq3A_289 : i32
      %jit3A_291 = arith.constant 1 : i32
      %select_n3A_292 = arith.select %eq3A_290, %jit3A_291, %jit3A_288 : i32
      %rem3A_293 = arith.remsi %add3A_32, %select_n3A_292 : i32
      %ne3A_294 = arith.constant 0 : i32
      %ne3A_295 = arith.cmpi ne, %rem3A_293, %ne3A_294 : i32
      %lt3A_296 = arith.constant 0 : i32
      %lt3A_297 = arith.cmpi slt, %rem3A_293, %lt3A_296 : i32
      %lt3A_298 = arith.constant 0 : i32
      %lt3A_299 = arith.cmpi slt, %select_n3A_292, %lt3A_298 : i32
      %ne3A_300 = arith.xori %lt3A_297, %lt3A_299 : i1
      %and3A_301 = arith.andi %ne3A_300, %ne3A_295 : i1
      %add3A_302 = arith.addi %rem3A_293, %select_n3A_292 : i32
      %select_n3A_303 = arith.select %and3A_301, %add3A_302, %rem3A_293 : i32
      %mul3A_304 = arith.constant 4 : i32
      %mul3A_305 = arith.muli %add3A, %mul3A_304 : i32
      %add3A_306 = arith.addi %mul3A_305, %select_n3A_287 : i32
      %mul3A_307 = arith.constant 3000 : i32
      %mul3A_308 = arith.muli %add3A_306, %mul3A_307 : i32
      %mul3A_309 = arith.constant 200 : i32
      %mul3A_310 = arith.muli %select_n3A_303, %mul3A_309 : i32
      %add3A_311 = arith.addi %mul3A_308, %mul3A_310 : i32
      %dma_start3A_312 = arith.constant 0 : i32
      %dma_start3A_313 = tpu.memref_slice %arg4[%add3A_311, %dma_start3A_312] : memref<384000x128xf32, #tpu.memory_space<hbm>> -> memref<200x128xf32, #tpu.memory_space<hbm>>
      %dma_start3A_314 = arith.constant 0 : i32
      %dma_start3A_315 = tpu.memref_slice %arg4[%add3A_311, %dma_start3A_314] : memref<384000x128xf32, #tpu.memory_space<hbm>> -> memref<200x128xf32, #tpu.memory_space<hbm>>
      tpu.enqueue_dma source(%arg7 : memref<200x128xf32, #tpu.memory_space<vmem>>) target(%dma_start3A_315 : memref<200x128xf32, #tpu.memory_space<hbm>>) target_semaphore(%arg11 : memref<!tpu.dma_semaphore, #tpu.memory_space<semaphore_mem>>)
      %lt3A_316 = arith.constant 29 : i32
      %lt3A_317 = arith.cmpi slt, %scan3A_28, %lt3A_316 : i32
      %convert_element_type3A_318 = arith.extui %lt3A_317 : i1 to i32
      %cond3A_319 = arith.constant 0 : i32
      %cond3A_320 = arith.cmpi ne, %convert_element_type3A_318, %cond3A_319 : i32
      scf.if %cond3A_320 {
        %dma_wait3A_321 = arith.constant 0 : i32
        %dma_wait3A_322 = arith.constant 0 : i32
        %dma_wait3A_323 = tpu.memref_slice %arg4[%dma_wait3A_321, %dma_wait3A_322] : memref<384000x128xf32, #tpu.memory_space<hbm>> -> memref<200x128xf32, #tpu.memory_space<hbm>>
        %dma_wait3A_324 = arith.constant 0 : i32
        %dma_wait3A_325 = arith.constant 0 : i32
        %dma_wait3A_326 = tpu.memref_slice %arg4[%dma_wait3A_324, %dma_wait3A_325] : memref<384000x128xf32, #tpu.memory_space<hbm>> -> memref<200x128xf32, #tpu.memory_space<hbm>>
        tpu.wait_dma2 semaphore(%arg10 : memref<!tpu.dma_semaphore, #tpu.memory_space<semaphore_mem>>) src(%arg6 : memref<200x128xf32, #tpu.memory_space<vmem>>) dst(%dma_wait3A_326 : memref<200x128xf32, #tpu.memory_space<hbm>>)
        %add3A_327 = arith.constant 2 : i32
        %add3A_328 = arith.addi %mul3A_30, %add3A_327 : i32
        %jit3A_329 = arith.constant 15 : i32
        %div3A_330 = arith.divsi %add3A_328, %jit3A_329 : i32
        %sign3A_331 = arith.constant 0 : i32
        %sign3A_332 = arith.cmpi sgt, %add3A_328, %sign3A_331 : i32
        %sign3A_333 = arith.extui %sign3A_332 : i1 to i32
        %sign3A_334 = arith.constant 0 : i32
        %sign3A_335 = arith.cmpi slt, %add3A_328, %sign3A_334 : i32
        %sign3A_336 = arith.extui %sign3A_335 : i1 to i32
        %sign3A_337 = arith.subi %sign3A_333, %sign3A_336 : i32
        %sign3A_338 = arith.constant 0 : i32
        %sign3A_339 = arith.cmpi sgt, %jit3A_329, %sign3A_338 : i32
        %sign3A_340 = arith.extui %sign3A_339 : i1 to i32
        %sign3A_341 = arith.constant 0 : i32
        %sign3A_342 = arith.cmpi slt, %jit3A_329, %sign3A_341 : i32
        %sign3A_343 = arith.extui %sign3A_342 : i1 to i32
        %sign3A_344 = arith.subi %sign3A_340, %sign3A_343 : i32
        %ne3A_345 = arith.cmpi ne, %sign3A_337, %sign3A_344 : i32
        %rem3A_346 = arith.remsi %add3A_328, %jit3A_329 : i32
        %ne3A_347 = arith.constant 0 : i32
        %ne3A_348 = arith.cmpi ne, %rem3A_346, %ne3A_347 : i32
        %and3A_349 = arith.andi %ne3A_345, %ne3A_348 : i1
        %sub3A_350 = arith.constant 1 : i32
        %sub3A_351 = arith.subi %div3A_330, %sub3A_350 : i32
        %select_n3A_352 = arith.select %and3A_349, %sub3A_351, %div3A_330 : i32
        %jit3A_353 = arith.constant 15 : i32
        %eq3A_354 = arith.constant 0 : i32
        %eq3A_355 = arith.cmpi eq, %jit3A_353, %eq3A_354 : i32
        %jit3A_356 = arith.constant 1 : i32
        %select_n3A_357 = arith.select %eq3A_355, %jit3A_356, %jit3A_353 : i32
        %rem3A_358 = arith.remsi %add3A_328, %select_n3A_357 : i32
        %ne3A_359 = arith.constant 0 : i32
        %ne3A_360 = arith.cmpi ne, %rem3A_358, %ne3A_359 : i32
        %lt3A_361 = arith.constant 0 : i32
        %lt3A_362 = arith.cmpi slt, %rem3A_358, %lt3A_361 : i32
        %lt3A_363 = arith.constant 0 : i32
        %lt3A_364 = arith.cmpi slt, %select_n3A_357, %lt3A_363 : i32
        %ne3A_365 = arith.xori %lt3A_362, %lt3A_364 : i1
        %and3A_366 = arith.andi %ne3A_365, %ne3A_360 : i1
        %add3A_367 = arith.addi %rem3A_358, %select_n3A_357 : i32
        %select_n3A_368 = arith.select %and3A_366, %add3A_367, %rem3A_358 : i32
        %mul3A_369 = arith.constant 4 : i32
        %mul3A_370 = arith.muli %add3A, %mul3A_369 : i32
        %add3A_371 = arith.addi %mul3A_370, %select_n3A_352 : i32
        %mul3A_372 = arith.constant 3000 : i32
        %mul3A_373 = arith.muli %add3A_371, %mul3A_372 : i32
        %mul3A_374 = arith.constant 200 : i32
        %mul3A_375 = arith.muli %select_n3A_368, %mul3A_374 : i32
        %add3A_376 = arith.addi %mul3A_373, %mul3A_375 : i32
        %dma_start3A_377 = arith.constant 0 : i32
        %dma_start3A_378 = tpu.memref_slice %arg2[%add3A_376, %dma_start3A_377] : memref<384000x128xf32, #tpu.memory_space<hbm>> -> memref<200x128xf32, #tpu.memory_space<hbm>>
        %dma_start3A_379 = arith.constant 0 : i32
        %dma_start3A_380 = tpu.memref_slice %arg2[%add3A_376, %dma_start3A_379] : memref<384000x128xf32, #tpu.memory_space<hbm>> -> memref<200x128xf32, #tpu.memory_space<hbm>>
        tpu.enqueue_dma source(%dma_start3A_380 : memref<200x128xf32, #tpu.memory_space<hbm>>) target(%arg6 : memref<200x128xf32, #tpu.memory_space<vmem>>) target_semaphore(%arg8 : memref<!tpu.dma_semaphore, #tpu.memory_space<semaphore_mem>>)
      } else {
      }
    }
    %scan3A_16 = arith.constant 30 : i32
    %dma_wait3A = arith.constant 0 : i32
    %dma_wait3A_17 = arith.constant 0 : i32
    %dma_wait3A_18 = tpu.memref_slice %arg4[%dma_wait3A, %dma_wait3A_17] : memref<384000x128xf32, #tpu.memory_space<hbm>> -> memref<200x128xf32, #tpu.memory_space<hbm>>
    %dma_wait3A_19 = arith.constant 0 : i32
    %dma_wait3A_20 = arith.constant 0 : i32
    %dma_wait3A_21 = tpu.memref_slice %arg4[%dma_wait3A_19, %dma_wait3A_20] : memref<384000x128xf32, #tpu.memory_space<hbm>> -> memref<200x128xf32, #tpu.memory_space<hbm>>
    tpu.wait_dma2 semaphore(%arg10 : memref<!tpu.dma_semaphore, #tpu.memory_space<semaphore_mem>>) src(%arg6 : memref<200x128xf32, #tpu.memory_space<vmem>>) dst(%dma_wait3A_21 : memref<200x128xf32, #tpu.memory_space<hbm>>)
    %dma_wait3A_22 = arith.constant 0 : i32
    %dma_wait3A_23 = arith.constant 0 : i32
    %dma_wait3A_24 = tpu.memref_slice %arg4[%dma_wait3A_22, %dma_wait3A_23] : memref<384000x128xf32, #tpu.memory_space<hbm>> -> memref<200x128xf32, #tpu.memory_space<hbm>>
    %dma_wait3A_25 = arith.constant 0 : i32
    %dma_wait3A_26 = arith.constant 0 : i32
    %dma_wait3A_27 = tpu.memref_slice %arg4[%dma_wait3A_25, %dma_wait3A_26] : memref<384000x128xf32, #tpu.memory_space<hbm>> -> memref<200x128xf32, #tpu.memory_space<hbm>>
    tpu.wait_dma2 semaphore(%arg11 : memref<!tpu.dma_semaphore, #tpu.memory_space<semaphore_mem>>) src(%arg7 : memref<200x128xf32, #tpu.memory_space<vmem>>) dst(%dma_wait3A_27 : memref<200x128xf32, #tpu.memory_space<hbm>>)
    return
  }
}

</mosaic_0001>

<sc_bundles>
// kernel: _sc_call.3.cloned.1.call-start
scs
__scs_entry_jumppad:
0x0: {  	(pc) =	sbr.rel $0x88, $3  }
0x1: {  	(tag) =	ssettag $0x0;
	lr =	simm.s32 $0x1  }
0x2: {  	[smem:$0x3FA0] =	sst lr;
	_ =	strace $0xD0000000  }
0x3: {  	_ = 	snop  }
0x4: {  	_ = 	snop  }
0x5: {  	_ = 	snop  }
0x6: {  	_ = 	snop  }
0x7: {  	_ = 	snop  }
__scs_overlays_trampoline_lowered:
0x8: {  	[smem:$0x3FAF] =	sst s0  }
0x9: {  	[smem:$0x3FB0] =	sst s1  }
0xa: {  	[smem:$0x3FB1] =	sst s2  }
0xb: {  	[smem:$0x3FB2] =	sst s3  }
0xc: {  	[smem:$0x3FB3] =	sst s4  }
0xd: {  	[smem:$0x3FB4] =	sst s5  }
0xe: {  	[smem:$0x3FB5] =	sst s6  }
0xf: {  	[smem:$0x3FB6] =	sst s7  }
0x10: {  	[smem:$0x3FB7] =	sst s8  }
0x11: {  	[smem:$0x3FB8] =	sst s9;
	s0 =	simm.s32 @!p0 $0x0  }
0x12: {  	s1 =	sld [smem:$0x3F9E];
	s0 =	simm.s32 @p0 $0x1  }
0x13: {  	[smem:$0x3FB9] =	sst s0;
	s0 =	simm.s32 @!p1 $0x0  }
0x14: {  	s2 =	sld [smem:$0x3F9D];
	s0 =	simm.s32 @p1 $0x1  }
0x15: {  	[smem:$0x3FBA] =	sst s0;
	s0 =	simm.s32 @!p2 $0x0  }
0x16: {  	s3 =	sld [smem:$0x3FDB];
	s0 =	simm.s32 @p2 $0x1  }
0x17: {  	s4 =	simm.s32 $0x1BF5;
	[smem:$0x3FBC] =	sst s0  }
0x18: {  	s0 =	sld [smem:$0x3F9F];
	_ =	swait.ge [sflag:s4], $0x0  }
0x19: {  	s7 =	sld [smem:$0x3FA0]  }
0x1a: {  	s8 =	sadd.s32 $0xFFFFE003, lr  }
0x1b: {  	s9 =	sadd.s32 $0xFFFFFEF7, lr;
	s5 =	simm.s32 $0xFFFFFFFF;
	p2 =	slt.u32 s8, $0xFFFFF086  }
0x1c: {  	p1 =	slt.u32 s9, $0xF7A;
	s5 =	simm.s32 @!p2 $0x0  }
0x1d: {  	s5 =	simm.s32 @p1 $0x1;
	p0 =	seq.s32 s7, s2  }
0x1e: {  	s7 =	smul.u32 @!p0 $0xF7A, s2;
	p2 =	seq.s32 @!p0 s5, $0x0  }
0x1f: {  	s9 =	smul.u32 $0xF7A, s1;
	s8 =	simm.s32 @!p0 $0x1BF5;
	p2 =	por !p2, p0  }
0x20: {  	[sflag:s8] =	ssyncset.s32 @!p0 $0xFFFFF086;
	s6 =	sadd.s32 @!p0 s3, s7;
	s7 =	simm.s32 @!p0 $0x108  }
0x21: {  	s3 =	sadd.s32 s3, s9;
	s6 =	sadd.s32 @!p0 $0x88, s6;
	s7 =	simm.s32 @p2 $0x1082  }
0x22: {  	[simem:s7], [sflag:s8] =	dma.local @!p0 [hbm:s6], $0xF7A  }
0x23: {  	s9 =	sor.u32 $0xD0000000, s2;
	s6 =	simm.s32 $0x108;
	_ =	swait.ge @!p0 [sflag:s8], $0x0  }
0x24: {  	s3 =	sadd.s32 $0x88, s3;
	s6 =	simm.s32 @!p1 $0x1082;
	[sflag:s4] =	ssyncset.s32 $0xFFFFF086  }
0x25: {  	[simem:s6], [sflag:s4] =	dma.local [hbm:s3], $0xF7A  }
0x26: {  	[smem:$0x3FA0] =	sst s1;
	(tag) =	ssettag s2;
	_ =	strace s9  }
0x27: {  	s1 =	sld [smem:$0x3FB0]  }
0x28: {  	s2 =	sld [smem:$0x3FB1]  }
0x29: {  	s4 =	sld [smem:$0x3FB3]  }
0x2a: {  	p0 =	seq.s32 s5, $0x0;
	s5 =	sld [smem:$0x3FB4]  }
0x2b: {  	s6 =	sld [smem:$0x3FB5]  }
0x2c: {  	s7 =	sld [smem:$0x3FB6]  }
0x2d: {  	s3 =	simm.s32 $0x108;
	s8 =	sld [smem:$0x3FB7]  }
0x2e: {  	s3 =	simm.s32 @!p0 $0x1082;
	s9 =	sld [smem:$0x3FB8]  }
0x2f: {  	lr =	sadd.s32 s0, s3;
	s0 =	sld [smem:$0x3FAF]  }
0x30: {  	s3 =	sld [smem:$0x3FB2]  }
0x31: {  	[smem:$0x3FBB] =	sst s10  }
0x32: {  	s10 =	sld [smem:$0x3FB9];
	_ =	sdelay $0x3  }
0x33: {  	p0 =	seq.s32 s10, $0x1;
	s10 =	sld [smem:$0x3FBB];
	_ =	sdelay $0x3  }
0x34: {  	[smem:$0x3FBB] =	sst s10  }
0x35: {  	s10 =	sld [smem:$0x3FBA];
	_ =	sdelay $0x3  }
0x36: {  	p1 =	seq.s32 s10, $0x1;
	s10 =	sld [smem:$0x3FBB];
	_ =	sdelay $0x3  }
0x37: {  	[smem:$0x3FBB] =	sst s10  }
0x38: {  	s10 =	sld [smem:$0x3FBC]  }
0x39: {  	_ = 	snop;
	(pc) =	sbr.ind lr, $3  }
0x3a: {  	_ = 	snop  }
0x3b: {  	_ = 	snop  }
0x3c: {  	p2 =	seq.s32 s10, $0x1;
	s10 =	sld [smem:$0x3FBB]  }
0x3d: {  	_ =	shalt  }
0x3e: {  	_ =	shalt  }
0x3f: {  	_ =	shalt  }
0x40: {  	_ =	shalt  }
0x41: {  	_ =	shalt  }
0x42: {  	_ =	shalt  }
0x43: {  	_ =	shalt  }
0x44: {  	_ =	shalt  }
0x45: {  	_ =	shalt  }
0x46: {  	_ =	shalt  }
0x47: {  	_ =	shalt  }
0x48: {  	_ =	shalt  }
0x49: {  	_ =	shalt  }
0x4a: {  	_ =	shalt  }
0x4b: {  	_ =	shalt  }
0x4c: {  	_ =	shalt  }
0x4d: {  	_ =	shalt  }
0x4e: {  	_ =	shalt  }
0x4f: {  	_ =	shalt  }
0x50: {  	_ =	shalt  }
0x51: {  	_ =	shalt  }
0x52: {  	_ =	shalt  }
0x53: {  	_ =	shalt  }
0x54: {  	_ =	shalt  }
0x55: {  	_ =	shalt  }
0x56: {  	_ =	shalt  }
0x57: {  	_ =	shalt  }
0x58: {  	_ =	shalt  }
0x59: {  	_ =	shalt  }
0x5a: {  	_ =	shalt  }
0x5b: {  	_ =	shalt  }
0x5c: {  	_ =	shalt  }
0x5d: {  	_ =	shalt  }
0x5e: {  	_ =	shalt  }
0x5f: {  	_ =	shalt  }
0x60: {  	_ =	shalt  }
0x61: {  	_ =	shalt  }
0x62: {  	_ =	shalt  }
0x63: {  	_ =	shalt  }
0x64: {  	_ =	shalt  }
0x65: {  	_ =	shalt  }
0x66: {  	_ =	shalt  }
0x67: {  	_ =	shalt  }
0x68: {  	_ =	shalt  }
0x69: {  	_ =	shalt  }
0x6a: {  	_ =	shalt  }
0x6b: {  	_ =	shalt  }
0x6c: {  	_ =	shalt  }
0x6d: {  	_ =	shalt  }
0x6e: {  	_ =	shalt  }
0x6f: {  	_ =	shalt  }
0x70: {  	_ =	shalt  }
0x71: {  	_ =	shalt  }
0x72: {  	_ =	shalt  }
0x73: {  	_ =	shalt  }
0x74: {  	_ =	shalt  }
0x75: {  	_ =	shalt  }
0x76: {  	_ =	shalt  }
0x77: {  	_ =	shalt  }
0x78: {  	_ =	shalt  }
0x79: {  	_ =	shalt  }
0x7a: {  	_ =	shalt  }
0x7b: {  	_ =	shalt  }
0x7c: {  	_ =	shalt  }
0x7d: {  	_ =	shalt  }
0x7e: {  	_ =	shalt  }
0x7f: {  	_ =	shalt  }
0x80: {  	_ =	shalt  }
0x81: {  	_ =	shalt  }
0x82: {  	_ =	shalt  }
0x83: {  	_ =	shalt  }
0x84: {  	_ =	shalt  }
0x85: {  	_ =	shalt  }
0x86: {  	_ =	shalt  }
0x87: {  	_ =	shalt  }
.Lfunc_end0:
.L_simem_size_0:
called_computation_lowered:
.L_overlay_start_0:
0x88: {  	s2 =	sld [smem:$0x3FD9]  }
0x89: {  	s3 =	sld [smem:$0x3FFE];
	_ =	sdelay $0x1  }
0x8a: {  	s1 =	srdreg.scid  }
0x8b: {  	s0 =	sand.u32 $0x1, s1  }
0x8c: {  	s17 =	sshll.u32 s0, $0xA;
	s2 =	sadd.s32 s3, s2  }
0x8d: {  	s2 =	sadd.s32 s2, s17  }
0x8e: {  	[smem:$0x3FC7] =	sst s2  }
0x8f: {  	_ = 	snop  }
0x90: {  	s2 =	sld [smem:$0x3FC9]  }
0x91: {  	s18 =	sld [smem:$0x3FD0];
	(tm) =	ssettm $0x1  }
0x92: {  	s4 =	sld [smem:$0x3FFB];
	_ =	sdelay $0x3  }
0x93: {  	_ =	strace s4  }
0x94: {  	s4 =	sld [smem:$0x3FFC];
	_ =	sdelay $0x3  }
0x95: {  	_ =	strace s4  }
0x96: {  	s4 =	sld [smem:$0x3FFD];
	_ =	sdelay $0x3  }
0x97: {  	_ =	strace s4  }
0x98: {  	_ =	strace $0x8FFFFFFF  }
0x99: {  	s19 =	sld [smem:$0x3FDB];
	_ =	sdelay $0x1  }
0x9a: {  	s5 =	simm.s32 $_scs_section_size  }
0x9b: {  	s6 =	simm.s32 $_size__tile_overlayer_lowered;
	s7 =	simm.s32 $_tile_overlayer_lowered  }
0x9c: {  	s22 =	simm.s32 $0x1BFF;
	s21 =	sshll.u32 s7, $0x1;
	s4 =	sadd.s32 s5, s19  }
0x9d: {  	s8 =	simm.s32 $0x0;
	s20 =	sshll.u32 s6, $0x1;
	s6 =	sadd.s32 s21, s4  }
0x9e: {  	[timem:s8], [sflag:s22] =	dma.local [hbm:s6], s20  }
0x9f: {  	_ =	swait.ge [sflag:s22], s20  }
0xa0: {  	s5 =	ssub.s32 $0x0, s20;
	[sflag:s22] =	ssyncset.done $0x0  }
0xa1: {  	[sflag:s22] =	ssyncadd.s32 s5;
	_ =	sdelay $0x1  }
0xa2: {  	s23 =	simm.s32 $0x1B8B  }
0xa3: {  	_ =	swait.ge [sflag:s23], $0x1  }
0xa4: {  	[sflag:s23] =	ssyncset.done $0x0  }
0xa5: {  	s25 =	simm.s32 $0x1B8E;
	s24 =	sld [smem:$0x3FFE];
	[sflag:s23] =	ssyncadd.s32 $0xFFFFFFFF  }
0xa6: {  	s26 =	simm.s32 $execute0_lowered;
	[smem:$0x3FD2] =	sst s25  }
0xa7: {  	s6 =	sshll.u32 s26, $0x1;
	_ =	strace $0x80000046;
	[dreg:$0x1] =	wrdreg $0xFFFFFFFF  }
0xa8: {  	s28 =	simm.s32 $_size_execute0_lowered;
	s4 =	sadd.s32 s4, s6;
	[dreg:$0x0] =	wrdreg $0x0  }
0xa9: {  	s6 =	sshll.u32 s28, $0x1;
	[dreg:$0x2] =	wrdreg s4  }
0xaa: {  	[dreg:$0x3] =	wrdreg s6  }
0xab: {  	[dreg:$0x4] =	wrdreg $0xC0  }
0xac: {  	_ =	task [dreg:s8], $0x5FFFF  }
0xad: {  	[dreg:$0x1] =	wrdreg $0xFFFFFFFF  }
0xae: {  	[dreg:$0x0] =	wrdreg $0x60  }
0xaf: {  	[dreg:$0x2] =	wrdreg s2  }
0xb0: {  	[dreg:$0x3] =	wrdreg s24  }
0xb1: {  	[dreg:$0x4] =	wrdreg s18  }
0xb2: {  	[dreg:$0x5] =	wrdreg $0x9  }
0xb3: {  	_ =	task.clear_ibuf [dreg:s8], $0x6FFFF;
	_ =	strace $0x90000046  }
0xb4: {  	s29 =	simm.s32 $0x9;
	_ =	strace $0x80000048  }
0xb5: {  	_ =	swait.ge [sflag:s29], $0x1  }
0xb6: {  	[sflag:s29] =	ssyncadd.s32 $0xFFFFFFFF  }
0xb7: {  	_ =	strace $0x90000048  }
0xb8: {  	_ =	sfence  }
0xb9: {  	s30 =	sld [smem:$0x0];
	_ =	sdelay $0x2  }
0xba: {  	s31 =	sshll.u32 s1, $0xD;
	s1 =	sshrl.u32 s1, $0x2  }
0xbb: {  	s3 =	sand.u32 $0x4000, s31;
	s1 =	sadd.s32 s1, s30  }
0xbc: {  	s0 =	sor.u32 s3, s0;
	s1 =	sshll.u32 s1, $0x11  }
0xbd: {  	s0 =	sor.u32 s1, s0  }
0xbe: {  	s0 =	sadd.s32 $0x8F2B, s0  }
0xbf: {  	[sflag:s0] =	ssyncadd.remote.s32 $0x1  }
0xc0: {  	_ =	sfence.sel $0xFFFF  }
0xc1: {  	[dreg:$0x0] =	wrdreg $0xFFFFFFFF;
	(pc) =	sbr.abs _section_cstart, $3  }
0xc2: {  	[dreg:$0x1] =	wrdreg $0xFFFFFFFF  }
0xc3: {  	_ =	task.clear_ibuf [dreg:s8], $0x2FFFF;
	_ =	strace $0x9FFFFFFF  }
0xc4: {  	(tm) =	ssettm $0x7FFFFFFF  }
0xc5: {  	_ =	shalt  }
tec
execute0_lowered:
.L_overlay_start_1:
0x0: {  	(tag) =	ssettag $0x1  }
0x1: {  	s1 =	rddreg [dreg:$0x0]  }
0x2: {  	s5 =	rddreg [dreg:$0x1]  }
0x3: {  	s3 =	rddreg [dreg:$0x2]  }
0x4: {  	s0 =	rddreg [dreg:$0x3]  }
0x5: {  	s6 =	srdreg.scid;
	s2 =	stileid.u32;
	s4 =	simm.s32 $0x0  }
0x6: {  	s11 =	simm.s32 $0x6600;
	s12 =	simm.s32 $0x1;
	s13 =	simm.s32 $0x2  }
0x7: {  	s14 =	simm.s32 $0x3;
	s15 =	simm.s32 $0x4;
	s16 =	simm.s32 $0x0  }
0x8: {  	s6 =	sand.u32 $0x1, s6;
	s7 =	sshll.u32 s2, $0x1;
	[smem:$0x7FF] =	sst s4  }
.Ltmp0:
0x9: {  	s7 =	sor.u32 s6, s7;
	s6 =	ssub.s32 $0x2, s6;
	(pc) =	sbr.rel .LBB2_1-.Ltmp0, $4  }
0xa: {  	_ =	strace $0x80000047;
	s8 =	sshll.u32 s7, $0x6;
	s9 =	sshrl.u32 s6, $0x1  }
0xb: {  	s10 =	smul.u32 $0x2EE00, s7;
	s7 =	sshll.u32 s7, $0x2;
	s5 =	sadd.s32 s8, s5  }
0xc: {  	s31 =	ssub.s32 s6, s9;
	s9 =	simm.s32 $0x5;
	s5 =	sadd.s32 $0x400, s5  }
0xd: {  	s6 =	sadd.s32 s1, s10;
	s8 =	smax.u32 s31, $0x1;
	s10 =	simm.s32 $0x200  }
.LBB2_8:
0xe: {  	s16 =	sadd.s32 $0x1, s16  }
0xf: {  	p0 =	sne.s32 s16, s8  }
.Ltmp1:
0x10: {  	_ = 	snop;
	(pc) =	sbr.rel @!p0 .LBB2_9-.Ltmp1, $4  }
0x11: {  	_ = 	snop  }
0x12: {  	_ =	swait.ge [sflag:s15], $0x6400  }
0x13: {  	[sflag:s15] =	ssyncset.done $0x0  }
0x14: {  	[sflag:s15] =	ssyncadd.s32 $0xFFFF9C00  }
.LBB2_1:
0x15: {  	[tilespmem:s4], [sflag:$0x5] =	stream.linear.gather [hbm4b:s5+s4], $0x200, $0x38;
	[tilespmem:$0xCA00] =	vst v63  }
0x16: {  	_ =	swait.ge [sflag:s9], $0x200  }
0x17: {  	[sflag:s9] =	ssyncset.done $0x0  }
0x18: {  	s17 =	simm.s32 $0x0;
	[sflag:s9] =	ssyncadd.s32 $0xFFFFFE00  }
0x19: {  	[tilespmem:s10], [sflag:$0x1] =	stream.linear.gather [hbm4b:s6+s4], $0x6400, $0x38;
	[tilespmem:$0xCA00] =	vst v63  }
.LBB2_2:
0x1a: {  	s18 =	sshll.u32 s17, $0x1  }
0x1b: {  	s19 =	sor.u32 $0x1, s18  }
0x1c: {  	s20 =	sand.u32 $0xFF, s19  }
0x1d: {  	s20 =	smul.u32 $0x89, s20;
	_ =	sdelay $0x1  }
0x1e: {  	s20 =	sshrl.u32 s20, $0xB  }
0x1f: {  	s21 =	smul.u32 $0xF, s20;
	_ =	sdelay $0x1  }
0x20: {  	s22 =	sadd.s32 s20, s7;
	s19 =	ssub.s32 s19, s21  }
0x21: {  	s28 =	smul.u32 $0xBB8, s22;
	s19 =	sand.u32 $0xFF, s19  }
0x22: {  	p0 =	seq.s32 s17, $0x0;
	s19 =	smul.u32 $0xC8, s19  }
0x23: {  	s22 =	simm.s32 @!p0 $0x4  }
0x24: {  	s30 =	simm.s32 $0x0;
	_ =	swait.ge @!p0 [sflag:s22], $0x6400;
	s19 =	sadd.s32 s19, s28  }
0x25: {  	s31 =	sand.u32 $0xFF, s18;
	[sflag:s22] =	ssyncset.done @!p0 $0x0;
	s19 =	sshll.u32 s19, $0x4  }
0x26: {  	s21 =	smul.u32 $0x89, s31;
	[sflag:s22] =	ssyncadd.s32 @!p0 $0xFFFF9C00;
	s29 =	sadd.s32 s1, s19  }
0x27: {  	[tilespmem:s11], [sflag:$0x2] =	stream.linear.gather [hbm4b:s29+s30], $0x6400, $0x38;
	[tilespmem:$0xCA00] =	vst v63  }
0x28: {  	_ =	swait.ge [sflag:s12], $0x6400  }
0x29: {  	s22 =	sshrl.u32 s21, $0xB;
	[sflag:s12] =	ssyncset.done $0x0  }
0x2a: {  	s21 =	sshll.u32 s22, $0x7;
	[sflag:s12] =	ssyncadd.s32 $0xFFFF9C00  }
0x2b: {  	v6 =	vld [tilespmem:s21+$0x0]  }
0x2c: {  	v7 =	vld [tilespmem:s21+$0x10]  }
0x2d: {  	v5 =	vld [tilespmem:s21+$0x20]  }
0x2e: {  	v4 =	vld [tilespmem:s21+$0x30]  }
0x2f: {  	v3 =	vld [tilespmem:s21+$0x40]  }
0x30: {  	v2 =	vld [tilespmem:s21+$0x50]  }
0x31: {  	v1 =	vld [tilespmem:s21+$0x60]  }
0x32: {  	v0 =	vld [tilespmem:s21+$0x70];
	s21 =	simm.s32 $0x0  }
0x33: {  	v9 =	vld [tilespmem:s21+$0x200]  }
0x34: {  	v13 =	vld [tilespmem:s21+$0x210]  }
0x35: {  	v12 =	vld [tilespmem:s21+$0x220]  }
0x36: {  	v10 =	vld [tilespmem:s21+$0x230]  }
0x37: {  	s23 =	smul.u32 $0xF, s22;
	v11 =	vld [tilespmem:s21+$0x240]  }
0x38: {  	v8 =	vld [tilespmem:s21+$0x250];
	v14 =	vmul.f32 v9, v6  }
0x39: {  	s24 =	simm.s32 $0x200;
	s23 =	ssub.s32 s18, s23;
	v13 =	vmul.f32 v13, v7;
	v9 =	vld [tilespmem:s21+$0x260]  }
.LBB2_3:
0x3a: {  	s25 =	sshra.s32 s24, $0x2;
	p0 =	sne.s32 s24, $0x18E00;
	[tilespmem:s21+$0x200] =	vst v14;
	v12 =	vmul.f32 v12, v5;
	v14 =	vld [tilespmem:s21+$0x270]  }
0x3b: {  	v15 =	vld [tilespmem:s25+$0x200];
	[tilespmem:s21+$0x210] =	vst v13;
	v10 =	vmul.f32 v10, v4  }
0x3c: {  	v13 =	vld [tilespmem:s25+$0x210];
	[tilespmem:s21+$0x220] =	vst v12;
	v11 =	vmul.f32 v11, v3  }
.Ltmp2:
0x3d: {  	v12 =	vld [tilespmem:s25+$0x220];
	[tilespmem:s21+$0x230] =	vst v10;
	v8 =	vmul.f32 v8, v2;
	(pc) =	sbr.rel @p0 .LBB2_3-.Ltmp2, $4  }
0x3e: {  	v10 =	vld [tilespmem:s25+$0x230];
	[tilespmem:s21+$0x240] =	vst v11;
	v9 =	vmul.f32 v9, v1  }
0x3f: {  	v11 =	vld [tilespmem:s25+$0x240];
	[tilespmem:s21+$0x250] =	vst v8;
	v16 =	vmul.f32 v14, v0  }
0x40: {  	v14 =	vmul.f32 v15, v6;
	v8 =	vld [tilespmem:s25+$0x250];
	[tilespmem:s21+$0x260] =	vst v9  }
0x41: {  	s24 =	sadd.s32 $0x200, s24;
	v13 =	vmul.f32 v13, v7;
	v9 =	vld [tilespmem:s25+$0x260];
	[tilespmem:s21+$0x270] =	vst v16;
	s21 =	smov.u32 s25  }
0x42: {  	[tilespmem:s21+$0x200] =	vst v14;
	v5 =	vmul.f32 v12, v5;
	v6 =	vld [tilespmem:s21+$0x270]  }
0x43: {  	[tilespmem:s21+$0x210] =	vst v13;
	v4 =	vmul.f32 v10, v4  }
0x44: {  	s22 =	sadd.s32 s22, s7;
	[tilespmem:s21+$0x220] =	vst v5;
	v3 =	vmul.f32 v11, v3  }
0x45: {  	s23 =	sand.u32 $0xFF, s23;
	s22 =	smul.u32 $0xBB80, s22;
	[tilespmem:s21+$0x230] =	vst v4;
	v2 =	vmul.f32 v8, v2  }
0x46: {  	s23 =	smul.u32 $0xC80, s23;
	[tilespmem:s21+$0x240] =	vst v3;
	v1 =	vmul.f32 v9, v1  }
0x47: {  	[tilespmem:s21+$0x250] =	vst v2;
	v0 =	vmul.f32 v6, v0  }
0x48: {  	s22 =	sadd.s32 s23, s22;
	[tilespmem:s21+$0x260] =	vst v1  }
0x49: {  	s31 =	simm.s32 $0x0;
	s30 =	sadd.s32 s3, s22;
	[tilespmem:s21+$0x270] =	vst v0  }
0x4a: {  	[hbm4b:s30+s31] =	stream.linear.scatter [tilespmem:s10], [sflag:$0x3], $0x6400, $0x38;
	[tilespmem:$0xCA00] =	vst v63  }
0x4b: {  	_ =	swait.ge [sflag:s13], $0x6400  }
0x4c: {  	[sflag:s13] =	ssyncset.done $0x0  }
0x4d: {  	s20 =	sshll.u32 s20, $0x7;
	[sflag:s13] =	ssyncadd.s32 $0xFFFF9C00  }
0x4e: {  	v6 =	vld [tilespmem:s20+$0x0]  }
0x4f: {  	v7 =	vld [tilespmem:s20+$0x10]  }
0x50: {  	v5 =	vld [tilespmem:s20+$0x20]  }
0x51: {  	v4 =	vld [tilespmem:s20+$0x30]  }
0x52: {  	v3 =	vld [tilespmem:s20+$0x40]  }
0x53: {  	v2 =	vld [tilespmem:s20+$0x50]  }
0x54: {  	v1 =	vld [tilespmem:s20+$0x60]  }
0x55: {  	v0 =	vld [tilespmem:s20+$0x70];
	s20 =	simm.s32 $0x0  }
0x56: {  	v11 =	vld [tilespmem:s20+$0x6600]  }
0x57: {  	v13 =	vld [tilespmem:s20+$0x6610]  }
0x58: {  	v12 =	vld [tilespmem:s20+$0x6620]  }
0x59: {  	v10 =	vld [tilespmem:s20+$0x6630]  }
0x5a: {  	v8 =	vld [tilespmem:s20+$0x6640]  }
0x5b: {  	v9 =	vld [tilespmem:s20+$0x6650];
	v14 =	vmul.f32 v11, v6  }
0x5c: {  	s21 =	simm.s32 $0x200;
	v13 =	vmul.f32 v13, v7;
	v11 =	vld [tilespmem:s20+$0x6660]  }
.LBB2_5:
0x5d: {  	s22 =	sshra.s32 s21, $0x2;
	p0 =	sne.s32 s21, $0x18E00;
	[tilespmem:s20+$0x6600] =	vst v14;
	v12 =	vmul.f32 v12, v5;
	v14 =	vld [tilespmem:s20+$0x6670]  }
0x5e: {  	v15 =	vld [tilespmem:s22+$0x6600];
	[tilespmem:s20+$0x6610] =	vst v13;
	v10 =	vmul.f32 v10, v4  }
0x5f: {  	v13 =	vld [tilespmem:s22+$0x6610];
	[tilespmem:s20+$0x6620] =	vst v12;
	v8 =	vmul.f32 v8, v3  }
.Ltmp3:
0x60: {  	v12 =	vld [tilespmem:s22+$0x6620];
	[tilespmem:s20+$0x6630] =	vst v10;
	v9 =	vmul.f32 v9, v2;
	(pc) =	sbr.rel @p0 .LBB2_5-.Ltmp3, $4  }
0x61: {  	v10 =	vld [tilespmem:s22+$0x6630];
	[tilespmem:s20+$0x6640] =	vst v8;
	v11 =	vmul.f32 v11, v1  }
0x62: {  	v8 =	vld [tilespmem:s22+$0x6640];
	[tilespmem:s20+$0x6650] =	vst v9;
	v16 =	vmul.f32 v14, v0  }
0x63: {  	v14 =	vmul.f32 v15, v6;
	v9 =	vld [tilespmem:s22+$0x6650];
	[tilespmem:s20+$0x6660] =	vst v11  }
0x64: {  	s21 =	sadd.s32 $0x200, s21;
	v13 =	vmul.f32 v13, v7;
	v11 =	vld [tilespmem:s22+$0x6660];
	[tilespmem:s20+$0x6670] =	vst v16;
	s20 =	smov.u32 s22  }
0x65: {  	[tilespmem:s20+$0x6600] =	vst v14;
	v5 =	vmul.f32 v12, v5;
	v6 =	vld [tilespmem:s20+$0x6670]  }
0x66: {  	[tilespmem:s20+$0x6610] =	vst v13;
	v4 =	vmul.f32 v10, v4  }
0x67: {  	[tilespmem:s20+$0x6620] =	vst v5;
	v3 =	vmul.f32 v8, v3  }
0x68: {  	[tilespmem:s20+$0x6630] =	vst v4;
	v2 =	vmul.f32 v9, v2  }
0x69: {  	[tilespmem:s20+$0x6640] =	vst v3;
	v1 =	vmul.f32 v11, v1  }
0x6a: {  	[tilespmem:s20+$0x6650] =	vst v2;
	v0 =	vmul.f32 v6, v0  }
0x6b: {  	p0 =	seq.s32 s17, $0x1D;
	[tilespmem:s20+$0x6660] =	vst v1  }
.Ltmp4:
0x6c: {  	s19 =	sadd.s32 s3, s19;
	[tilespmem:s20+$0x6670] =	vst v0;
	(pc) =	sbr.rel @p0 .LBB2_8-.Ltmp4, $4  }
0x6d: {  	[hbm4b:s19+s4] =	stream.linear.scatter [tilespmem:s11], [sflag:$0x4], $0x6400, $0x38;
	[tilespmem:$0xCA00] =	vst v63  }
0x6e: {  	_ =	swait.ge [sflag:s14], $0x6400  }
0x6f: {  	[sflag:s14] =	ssyncset.done $0x0  }
0x70: {  	[sflag:s14] =	ssyncadd.s32 $0xFFFF9C00  }
0x71: {  	s18 =	sadd.s32 $0x2, s18  }
0x72: {  	s19 =	smulhi.u32 $0x88888889, s18;
	_ =	sdelay $0x1  }
0x73: {  	s19 =	sshrl.u32 s19, $0x3  }
0x74: {  	s20 =	smul.u32 $0xF, s19  }
0x75: {  	s19 =	sadd.s32 s7, s19  }
0x76: {  	s19 =	smul.u32 $0xBB80, s19;
	s18 =	ssub.s32 s18, s20  }
0x77: {  	s18 =	smul.u32 $0xC80, s18  }
.Ltmp5:
0x78: {  	_ = 	snop;
	(pc) =	sbr.rel .LBB2_2-.Ltmp5, $4  }
0x79: {  	_ = 	snop  }
0x7a: {  	s18 =	sadd.s32 s18, s19  }
0x7b: {  	s17 =	sadd.s32 $0x1, s17;
	s18 =	sadd.s32 s1, s18  }
0x7c: {  	[tilespmem:s10], [sflag:$0x1] =	stream.linear.gather [hbm4b:s18+s4], $0x6400, $0x38;
	[tilespmem:$0xCA00] =	vst v63  }
.LBB2_9:
0x7d: {  	_ =	sfence.sel $0x180000  }
0x7e: {  	[bflag:$0x0] =	sbarrier.arrive $0xFFFF  }
0x7f: {  	p0 =	sne.s32 s2, $0x0;
	_ =	strace $0x90000047  }
0x80: {  	s0 =	sadd.s32 @!p0 $0x100000, s0;
	[bflag:$0x2] =	sbarrier.arrive $0xFFFF  }
0x81: {  	[sflag:s0] =	ssyncadd.tile.s32 @!p0 $0x1;
	_ =	shalt  }
.Lfunc_end2:
_tile_overlayer_lowered:
.L_overlay_start_2:
0x82: {  	(tag) =	ssettag $0x2  }
0x83: {  	s0 =	rddreg [dreg:$0x0];
	s2 =	stileid.u32  }
0x84: {  	s1 =	rddreg [dreg:$0x1];
	p0 =	sne.s32 s2, $0x0  }
0x85: {  	s3 =	rddreg [dreg:$0x2];
	[bflag:$0x3] =	sbarrier.arrive $0xFFFF;
	s2 =	simm.s32 @!p0 $0x1C05  }
0x86: {  	[timem:s3], [sflag:s2] =	dma.local @!p0 [hbm:s0], s1  }
0x87: {  	s0 =	simm.s32 @!p0 $0x5  }
0x88: {  	_ =	swait.ge @!p0 [sflag:s0], s1  }
0x89: {  	s1 =	ssub.s32 @!p0 $0x0, s1;
	[sflag:s0] =	ssyncset.done @!p0 $0x0  }
0x8a: {  	[sflag:s0] =	ssyncadd.s32 @!p0 s1  }
0x8b: {  	[bflag:$0x3] =	sbarrier.arrive $0xFFFF  }
0x8c: {  	_ =	shalt  }

</sc_bundles>
